<compile_context>
chip_gen: v7x
topology: tpu7x:2x2x1
jax: 0.10.2.dev20260603
libtpu: 0.0.44.dev20260713+nightly
codegen_flags: <defaults>
</compile_context>

<pallas_src>
import functools

import jax
import jax.numpy as jnp
from jax import lax
from jax.experimental import pallas as pl
from jax.experimental.pallas import tpu as pltpu
from jax.experimental.pallas import tpu_sc as plsc

B = 4096
S = 200
D = 64
DP = 128
NUM_LANG = 10

NC = 2
NS = 16
NW = NC * NS
SPW = B // NW
HALF = S // 2
HPW = 2 * SPW
NLANE = 16


def _sc_embedding_bag(table2, idx2d):
  mesh = plsc.VectorSubcoreMesh(core_axis_name="c", subcore_axis_name="s")

  @functools.partial(
      pl.kernel,
      out_type=jax.ShapeDtypeStruct((B, D), jnp.float32),
      mesh=mesh,
      scratch_types=[
          pltpu.VMEM((HPW, HALF), jnp.int32),
          pltpu.VMEM((S, D), jnp.float32),
          pltpu.VMEM((S, D), jnp.float32),
          pltpu.VMEM((SPW, D), jnp.float32),
          pltpu.SemaphoreType.DMA,
          pltpu.SemaphoreType.DMA,
      ],
      compiler_params=pltpu.CompilerParams(use_tc_tiling_on_sc=False),
  )
  def sc_kernel(table_hbm, idx_hbm, out_hbm, idx_v, buf0, buf1, acc_v, sem0,
                sem1):
    wid = lax.axis_index("s") * NC + lax.axis_index("c")
    pltpu.sync_copy(idx_hbm.at[pl.ds(wid * HPW, HPW)], idx_v)

    zero = jnp.zeros((NLANE,), jnp.float32)

    def issue(i, buf, sem):
      r0 = jnp.minimum(2 * i, HPW - 2)
      pltpu.async_copy(table_hbm.at[idx_v.at[r0]], buf.at[pl.ds(0, HALF)], sem)
      pltpu.async_copy(
          table_hbm.at[idx_v.at[r0 + 1]], buf.at[pl.ds(HALF, HALF)], sem)

    def wait(buf, sem):
      pltpu.make_async_copy(table_hbm.at[idx_v.at[0]],
                            buf.at[pl.ds(0, HALF)], sem).wait()
      pltpu.make_async_copy(table_hbm.at[idx_v.at[0]],
                            buf.at[pl.ds(HALF, HALF)], sem).wait()

    def reduce_into(buf, i):
      def red(r, accs):
        return tuple(
            accs[k] + buf[r, pl.ds(k * NLANE, NLANE)] for k in range(4))

      accs = lax.fori_loop(0, S, red, (zero, zero, zero, zero), unroll=20)
      for k in range(4):
        acc_v[i, pl.ds(k * NLANE, NLANE)] = accs[k]

    issue(0, buf0, sem0)
    issue(1, buf1, sem1)

    @pl.loop(0, SPW, step=2)
    def _(i):
      wait(buf0, sem0)
      reduce_into(buf0, i)
      issue(i + 2, buf0, sem0)
      wait(buf1, sem1)
      reduce_into(buf1, i + 1)
      issue(i + 3, buf1, sem1)

    wait(buf0, sem0)
    wait(buf1, sem1)
    pltpu.sync_copy(acc_v, out_hbm.at[pl.ds(wid * SPW, SPW)])

  return sc_kernel(table2, idx2d)


def _tc_relayout(tableT):
  V = tableT.shape[1]
  VB = 16384

  def body(x_ref, o_ref):
    o_ref[:, 0:D] = x_ref[...].T

  return pl.pallas_call(
      body,
      grid=(pl.cdiv(V, VB),),
      in_specs=[pl.BlockSpec((D, VB), lambda i: (0, i))],
      out_specs=pl.BlockSpec((VB, DP), lambda i: (i, 0)),
      out_shape=jax.ShapeDtypeStruct((V, DP), jnp.float32),
  )(tableT)


def _tc_head(sums, W, b):
  def body(x_ref, w_ref, b_ref, o_ref):
    acc = jnp.dot(x_ref[...], w_ref[...], preferred_element_type=jnp.float32)
    o_ref[...] = acc * (1.0 / S) + b_ref[...]

  return pl.pallas_call(
      body,
      out_shape=jax.ShapeDtypeStruct((B, NUM_LANG), jnp.float32),
  )(sums, W, b.reshape(1, NUM_LANG))


@jax.jit
def kernel(inputs, table, W, b):
  idx2d = (2 * inputs.astype(jnp.int32)).reshape(2 * B, HALF)
  table128 = _tc_relayout(table.T)
  table2 = table128.reshape(2 * 1000000, D)
  sums = _sc_embedding_bag(table2, idx2d)
  logits = _tc_head(sums, W, b)
  return {"logits": logits}

# --- scband reference (transcript-rebuilt; emitter-appended) ---
"""Pipeline reference for scband-language-classifier-40587440947530 (READ-ONLY COPY).

The authoritative reference and input builder live on the scoring server;
editing this copy changes nothing except your own understanding.
"""

import jax, jax.numpy as jnp
import numpy as np

VOCAB = 1000000
EMBED_DIM = 64
NUM_LANG = 10
BATCH = 4096
SEQ = 200

def setup_inputs(seed: int = 0) -> dict:
    key = jax.random.key(seed)
    k1, k2, k3, k4 = jax.random.split(key, 4)
    inputs = jax.random.randint(k1, (BATCH, SEQ), 0, VOCAB, dtype=jnp.int64 if jax.config.jax_enable_x64 else jnp.int32)
    table = jax.random.normal(k2, (VOCAB, EMBED_DIM), dtype=jnp.float32) * 0.02
    W = jax.random.normal(k3, (EMBED_DIM, NUM_LANG), dtype=jnp.float32) * (1.0 / np.sqrt(EMBED_DIM))
    b = jnp.zeros((NUM_LANG,), dtype=jnp.float32)
    return {"inputs": inputs, "table": table, "W": W, "b": b}

def reference(inputs, table, W, b):
    # Embedding lookup (gather)
    x = jnp.take(table, inputs, axis=0)            # [B, S, D]
    # GlobalAveragePooling1D over the sequence axis
    x = jnp.mean(x, axis=1)                        # [B, D]
    # Dense classifier
    logits = x @ W + b                             # [B, num_languages]
    return {"logits": logits}

if __name__ == "__main__":
    import jax
    _d = setup_inputs()
    print(jax.jit(kernel)(*tuple(_d.values())))

</pallas_src>

<mosaic_0001>
#map = affine_map<(d0, d1) -> (0, 0)>
module attributes {stable_mosaic.version = 14 : i64} {
  func.func @sc_kernel(%arg0: i32, %arg1: i32, %arg2: memref<2000000x64xf32, #tpu.memory_space<hbm>>, %arg3: memref<8192x100xi32, #tpu.memory_space<hbm>>, %arg4: memref<4096x64xf32, #tpu.memory_space<hbm>>, %arg5: memref<256x100xi32, #tpu.memory_space<vmem>>, %arg6: memref<200x64xf32, #tpu.memory_space<vmem>>, %arg7: memref<200x64xf32, #tpu.memory_space<vmem>>, %arg8: memref<128x64xf32, #tpu.memory_space<vmem>>, %arg9: memref<!tpu.dma_semaphore, #tpu.memory_space<semaphore_mem>>, %arg10: memref<!tpu.dma_semaphore, #tpu.memory_space<semaphore_mem>>) attributes {dimension_semantics = [#tpu.dimension_semantics<core_parallel>, #tpu.dimension_semantics<subcore_parallel>], iteration_bounds = array<i64: 2, 16>, scalar_prefetch = 0 : i64, scratch_operands = 6 : i64, tpu.core_type = #tpu.core_type<sc_vector_subcore>, window_params = [{transform_indices = #map}, {transform_indices = #map}, {transform_indices = #map}]} {
    %mul3A = arith.constant 2 : i32
    %mul3A_0 = arith.muli %arg1, %mul3A : i32
    %add3A = arith.addi %mul3A_0, %arg0 : i32
    %mul3A_1 = arith.constant 256 : i32
    %mul3A_2 = arith.muli %add3A, %mul3A_1 : i32
    "tpu.region"() ({
      %run_scoped3A = tpu.sem_alloc : memref<!tpu.dma_semaphore, #tpu.memory_space<semaphore_mem>>
      %dma_start3A_93 = arith.constant 0 : i32
      %dma_start3A_94 = tpu.memref_slice %arg3[%mul3A_2, %dma_start3A_93] : memref<8192x100xi32, #tpu.memory_space<hbm>> -> memref<256x100xi32, #tpu.memory_space<hbm>>
      %dma_start3A_95 = arith.constant 0 : i32
      %dma_start3A_96 = tpu.memref_slice %arg3[%mul3A_2, %dma_start3A_95] : memref<8192x100xi32, #tpu.memory_space<hbm>> -> memref<256x100xi32, #tpu.memory_space<hbm>>
      tpu.enqueue_dma source(%dma_start3A_96 : memref<256x100xi32, #tpu.memory_space<hbm>>) target(%arg5 : memref<256x100xi32, #tpu.memory_space<vmem>>) target_semaphore(%run_scoped3A : memref<!tpu.dma_semaphore, #tpu.memory_space<semaphore_mem>>)
      %dma_wait3A_97 = arith.constant 0 : i32
      %dma_wait3A_98 = tpu.memref_slice %arg3[%mul3A_2, %dma_wait3A_97] : memref<8192x100xi32, #tpu.memory_space<hbm>> -> memref<256x100xi32, #tpu.memory_space<hbm>>
      %dma_wait3A_99 = arith.constant 0 : i32
      %dma_wait3A_100 = tpu.memref_slice %arg3[%mul3A_2, %dma_wait3A_99] : memref<8192x100xi32, #tpu.memory_space<hbm>> -> memref<256x100xi32, #tpu.memory_space<hbm>>
      tpu.wait_dma2 semaphore(%run_scoped3A : memref<!tpu.dma_semaphore, #tpu.memory_space<semaphore_mem>>) src(%dma_wait3A_100 : memref<256x100xi32, #tpu.memory_space<hbm>>) dst(%arg5 : memref<256x100xi32, #tpu.memory_space<vmem>>)
      tpu.yield
    }) : () -> ()
    %broadcast_in_dim3A = arith.constant 0.000000e+00 : f32
    %broadcast_in_dim3A_3 = vector.broadcast %broadcast_in_dim3A : f32 to vector<16xf32>
    %min3A = arith.constant 0 : i32
    %min3A_4 = arith.constant 254 : i32
    %min3A_5 = arith.minsi %min3A, %min3A_4 : i32
    %dma_start3A = arith.constant 0 : i32
    %dma_start3A_6 = arith.constant 0 : i32
    %dma_start3A_7 = tpu.memref_slice %arg6[%dma_start3A, %dma_start3A_6] : memref<200x64xf32, #tpu.memory_space<vmem>> -> memref<100x64xf32, #tpu.memory_space<vmem>>
    %dma_start3A_8 = arith.constant 0 : i32
    %dma_start3A_9 = tpu.memref_slice %arg5[%min3A_5, %dma_start3A_8] : memref<256x100xi32, #tpu.memory_space<vmem>> -> memref<1x100xi32, #tpu.memory_space<vmem>>
    %dma_start3A_10 = tpu.memref_squeeze %dma_start3A_9 : memref<1x100xi32, #tpu.memory_space<vmem>> -> memref<100xi32, #tpu.memory_space<vmem>>
    %dma_start3A_11 = arith.constant 0 : i32
    %dma_start3A_12 = arith.constant 0 : i32
    %dma_start3A_13 = tpu.memref_slice %arg2[%dma_start3A_11, %dma_start3A_12] : memref<2000000x64xf32, #tpu.memory_space<hbm>> -> memref<2000000x64xf32, #tpu.memory_space<hbm>>
    tpu.enqueue_indirect_dma source(%dma_start3A_13 : memref<2000000x64xf32, #tpu.memory_space<hbm>>) target(%dma_start3A_7 : memref<100x64xf32, #tpu.memory_space<vmem>>) offsets(%dma_start3A_10 : memref<100xi32, #tpu.memory_space<vmem>>) semaphore(%arg9 : memref<!tpu.dma_semaphore, #tpu.memory_space<semaphore_mem>>)
    %add3A_14 = arith.constant 1 : i32
    %add3A_15 = arith.addi %min3A_5, %add3A_14 : i32
    %dma_start3A_16 = arith.constant 100 : i32
    %dma_start3A_17 = arith.constant 0 : i32
    %dma_start3A_18 = tpu.memref_slice %arg6[%dma_start3A_16, %dma_start3A_17] : memref<200x64xf32, #tpu.memory_space<vmem>> -> memref<100x64xf32, #tpu.memory_space<vmem>>
    %dma_start3A_19 = arith.constant 0 : i32
    %dma_start3A_20 = tpu.memref_slice %arg5[%add3A_15, %dma_start3A_19] : memref<256x100xi32, #tpu.memory_space<vmem>> -> memref<1x100xi32, #tpu.memory_space<vmem>>
    %dma_start3A_21 = tpu.memref_squeeze %dma_start3A_20 : memref<1x100xi32, #tpu.memory_space<vmem>> -> memref<100xi32, #tpu.memory_space<vmem>>
    %dma_start3A_22 = arith.constant 0 : i32
    %dma_start3A_23 = arith.constant 0 : i32
    %dma_start3A_24 = tpu.memref_slice %arg2[%dma_start3A_22, %dma_start3A_23] : memref<2000000x64xf32, #tpu.memory_space<hbm>> -> memref<2000000x64xf32, #tpu.memory_space<hbm>>
    tpu.enqueue_indirect_dma source(%dma_start3A_24 : memref<2000000x64xf32, #tpu.memory_space<hbm>>) target(%dma_start3A_18 : memref<100x64xf32, #tpu.memory_space<vmem>>) offsets(%dma_start3A_21 : memref<100xi32, #tpu.memory_space<vmem>>) semaphore(%arg9 : memref<!tpu.dma_semaphore, #tpu.memory_space<semaphore_mem>>)
    %min3A_25 = arith.constant 2 : i32
    %min3A_26 = arith.constant 254 : i32
    %min3A_27 = arith.minsi %min3A_25, %min3A_26 : i32
    %dma_start3A_28 = arith.constant 0 : i32
    %dma_start3A_29 = arith.constant 0 : i32
    %dma_start3A_30 = tpu.memref_slice %arg7[%dma_start3A_28, %dma_start3A_29] : memref<200x64xf32, #tpu.memory_space<vmem>> -> memref<100x64xf32, #tpu.memory_space<vmem>>
    %dma_start3A_31 = arith.constant 0 : i32
    %dma_start3A_32 = tpu.memref_slice %arg5[%min3A_27, %dma_start3A_31] : memref<256x100xi32, #tpu.memory_space<vmem>> -> memref<1x100xi32, #tpu.memory_space<vmem>>
    %dma_start3A_33 = tpu.memref_squeeze %dma_start3A_32 : memref<1x100xi32, #tpu.memory_space<vmem>> -> memref<100xi32, #tpu.memory_space<vmem>>
    %dma_start3A_34 = arith.constant 0 : i32
    %dma_start3A_35 = arith.constant 0 : i32
    %dma_start3A_36 = tpu.memref_slice %arg2[%dma_start3A_34, %dma_start3A_35] : memref<2000000x64xf32, #tpu.memory_space<hbm>> -> memref<2000000x64xf32, #tpu.memory_space<hbm>>
    tpu.enqueue_indirect_dma source(%dma_start3A_36 : memref<2000000x64xf32, #tpu.memory_space<hbm>>) target(%dma_start3A_30 : memref<100x64xf32, #tpu.memory_space<vmem>>) offsets(%dma_start3A_33 : memref<100xi32, #tpu.memory_space<vmem>>) semaphore(%arg10 : memref<!tpu.dma_semaphore, #tpu.memory_space<semaphore_mem>>)
    %add3A_37 = arith.constant 1 : i32
    %add3A_38 = arith.addi %min3A_27, %add3A_37 : i32
    %dma_start3A_39 = arith.constant 100 : i32
    %dma_start3A_40 = arith.constant 0 : i32
    %dma_start3A_41 = tpu.memref_slice %arg7[%dma_start3A_39, %dma_start3A_40] : memref<200x64xf32, #tpu.memory_space<vmem>> -> memref<100x64xf32, #tpu.memory_space<vmem>>
    %dma_start3A_42 = arith.constant 0 : i32
    %dma_start3A_43 = tpu.memref_slice %arg5[%add3A_38, %dma_start3A_42] : memref<256x100xi32, #tpu.memory_space<vmem>> -> memref<1x100xi32, #tpu.memory_space<vmem>>
    %dma_start3A_44 = tpu.memref_squeeze %dma_start3A_43 : memref<1x100xi32, #tpu.memory_space<vmem>> -> memref<100xi32, #tpu.memory_space<vmem>>
    %dma_start3A_45 = arith.constant 0 : i32
    %dma_start3A_46 = arith.constant 0 : i32
    %dma_start3A_47 = tpu.memref_slice %arg2[%dma_start3A_45, %dma_start3A_46] : memref<2000000x64xf32, #tpu.memory_space<hbm>> -> memref<2000000x64xf32, #tpu.memory_space<hbm>>
    tpu.enqueue_indirect_dma source(%dma_start3A_47 : memref<2000000x64xf32, #tpu.memory_space<hbm>>) target(%dma_start3A_41 : memref<100x64xf32, #tpu.memory_space<vmem>>) offsets(%dma_start3A_44 : memref<100xi32, #tpu.memory_space<vmem>>) semaphore(%arg10 : memref<!tpu.dma_semaphore, #tpu.memory_space<semaphore_mem>>)
    %scan3A = arith.constant 0 : i32
    %scan3A_48 = arith.constant 64 : i32
    %scan3A_49 = arith.addi %scan3A, %scan3A_48 : i32
    %scan3A_50 = arith.constant 1 : i32
    scf.for %scan3A_93 = %scan3A to %scan3A_49 step %scan3A_50  : i32 {
      %mul3A_94 = arith.constant 2 : i32
      %mul3A_95 = arith.muli %scan3A_93, %mul3A_94 : i32
      %add3A_96 = arith.constant 0 : i32
      %add3A_97 = arith.addi %add3A_96, %mul3A_95 : i32
      %dma_wait3A_98 = arith.constant 0 : i32
      %dma_wait3A_99 = arith.constant 0 : i32
      %dma_wait3A_100 = arith.constant 0 : i32
      %dma_wait3A_101 = tpu.memref_slice %arg6[%dma_wait3A_99, %dma_wait3A_100] : memref<200x64xf32, #tpu.memory_space<vmem>> -> memref<100x64xf32, #tpu.memory_space<vmem>>
      %dma_wait3A_102 = arith.constant 0 : i32
      %dma_wait3A_103 = tpu.memref_slice %arg5[%dma_wait3A_98, %dma_wait3A_102] : memref<256x100xi32, #tpu.memory_space<vmem>> -> memref<1x100xi32, #tpu.memory_space<vmem>>
      %dma_wait3A_104 = tpu.memref_squeeze %dma_wait3A_103 : memref<1x100xi32, #tpu.memory_space<vmem>> -> memref<100xi32, #tpu.memory_space<vmem>>
      %dma_wait3A_105 = arith.constant 0 : i32
      %dma_wait3A_106 = arith.constant 0 : i32
      %dma_wait3A_107 = tpu.memref_slice %arg2[%dma_wait3A_105, %dma_wait3A_106] : memref<2000000x64xf32, #tpu.memory_space<hbm>> -> memref<2000000x64xf32, #tpu.memory_space<hbm>>
      tpu.wait_indirect_dma semaphore(%arg9 : memref<!tpu.dma_semaphore, #tpu.memory_space<semaphore_mem>>) src(%dma_wait3A_107 : memref<2000000x64xf32, #tpu.memory_space<hbm>>) dst(%dma_wait3A_101 : memref<100x64xf32, #tpu.memory_space<vmem>>)
      %dma_wait3A_108 = arith.constant 0 : i32
      %dma_wait3A_109 = arith.constant 100 : i32
      %dma_wait3A_110 = arith.constant 0 : i32
      %dma_wait3A_111 = tpu.memref_slice %arg6[%dma_wait3A_109, %dma_wait3A_110] : memref<200x64xf32, #tpu.memory_space<vmem>> -> memref<100x64xf32, #tpu.memory_space<vmem>>
      %dma_wait3A_112 = arith.constant 0 : i32
      %dma_wait3A_113 = tpu.memref_slice %arg5[%dma_wait3A_108, %dma_wait3A_112] : memref<256x100xi32, #tpu.memory_space<vmem>> -> memref<1x100xi32, #tpu.memory_space<vmem>>
      %dma_wait3A_114 = tpu.memref_squeeze %dma_wait3A_113 : memref<1x100xi32, #tpu.memory_space<vmem>> -> memref<100xi32, #tpu.memory_space<vmem>>
      %dma_wait3A_115 = arith.constant 0 : i32
      %dma_wait3A_116 = arith.constant 0 : i32
      %dma_wait3A_117 = tpu.memref_slice %arg2[%dma_wait3A_115, %dma_wait3A_116] : memref<2000000x64xf32, #tpu.memory_space<hbm>> -> memref<2000000x64xf32, #tpu.memory_space<hbm>>
      tpu.wait_indirect_dma semaphore(%arg9 : memref<!tpu.dma_semaphore, #tpu.memory_space<semaphore_mem>>) src(%dma_wait3A_117 : memref<2000000x64xf32, #tpu.memory_space<hbm>>) dst(%dma_wait3A_111 : memref<100x64xf32, #tpu.memory_space<vmem>>)
      %scan3A_118 = arith.constant 0 : i32
      %scan3A_119 = arith.constant 200 : i32
      %scan3A_120 = arith.addi %scan3A_118, %scan3A_119 : i32
      %scan3A_121 = arith.constant 20 : i32
      %scan3A_122:4 = scf.for %scan3A_243 = %scan3A_118 to %scan3A_120 step %scan3A_121 iter_args(%scan3A_244 = %broadcast_in_dim3A_3, %scan3A_245 = %broadcast_in_dim3A_3, %scan3A_246 = %broadcast_in_dim3A_3, %scan3A_247 = %broadcast_in_dim3A_3) -> (vector<16xf32>, vector<16xf32>, vector<16xf32>, vector<16xf32>)  : i32 {
        %get3A = arith.index_cast %scan3A_243 : i32 to index
        %get3A_248 = arith.constant 0 : index
        %get3A_249 = tpu.vector_load %arg6[%get3A, %get3A_248] {strides = array<i32>} : memref<200x64xf32, #tpu.memory_space<vmem>>, vector<1x16xf32>,
        %get3A_250 = vector.shape_cast %get3A_249 : vector<1x16xf32> to vector<16xf32>
        %add3A_251 = arith.addf %scan3A_244, %get3A_250 : vector<16xf32>
        %get3A_252 = arith.index_cast %scan3A_243 : i32 to index
        %get3A_253 = arith.constant 16 : index
        %get3A_254 = tpu.vector_load %arg6[%get3A_252, %get3A_253] {strides = array<i32>} : memref<200x64xf32, #tpu.memory_space<vmem>>, vector<1x16xf32>,
        %get3A_255 = vector.shape_cast %get3A_254 : vector<1x16xf32> to vector<16xf32>
        %add3A_256 = arith.addf %scan3A_245, %get3A_255 : vector<16xf32>
        %get3A_257 = arith.index_cast %scan3A_243 : i32 to index
        %get3A_258 = arith.constant 32 : index
        %get3A_259 = tpu.vector_load %arg6[%get3A_257, %get3A_258] {strides = array<i32>} : memref<200x64xf32, #tpu.memory_space<vmem>>, vector<1x16xf32>,
        %get3A_260 = vector.shape_cast %get3A_259 : vector<1x16xf32> to vector<16xf32>
        %add3A_261 = arith.addf %scan3A_246, %get3A_260 : vector<16xf32>
        %get3A_262 = arith.index_cast %scan3A_243 : i32 to index
        %get3A_263 = arith.constant 48 : index
        %get3A_264 = tpu.vector_load %arg6[%get3A_262, %get3A_263] {strides = array<i32>} : memref<200x64xf32, #tpu.memory_space<vmem>>, vector<1x16xf32>,
        %get3A_265 = vector.shape_cast %get3A_264 : vector<1x16xf32> to vector<16xf32>
        %add3A_266 = arith.addf %scan3A_247, %get3A_265 : vector<16xf32>
        %scan3A_267 = arith.constant 1 : i32
        %scan3A_268 = arith.addi %scan3A_243, %scan3A_267 : i32
        %get3A_269 = arith.index_cast %scan3A_268 : i32 to index
        %get3A_270 = arith.constant 0 : index
        %get3A_271 = tpu.vector_load %arg6[%get3A_269, %get3A_270] {strides = array<i32>} : memref<200x64xf32, #tpu.memory_space<vmem>>, vector<1x16xf32>,
        %get3A_272 = vector.shape_cast %get3A_271 : vector<1x16xf32> to vector<16xf32>
        %add3A_273 = arith.addf %add3A_251, %get3A_272 : vector<16xf32>
        %get3A_274 = arith.index_cast %scan3A_268 : i32 to index
        %get3A_275 = arith.constant 16 : index
        %get3A_276 = tpu.vector_load %arg6[%get3A_274, %get3A_275] {strides = array<i32>} : memref<200x64xf32, #tpu.memory_space<vmem>>, vector<1x16xf32>,
        %get3A_277 = vector.shape_cast %get3A_276 : vector<1x16xf32> to vector<16xf32>
        %add3A_278 = arith.addf %add3A_256, %get3A_277 : vector<16xf32>
        %get3A_279 = arith.index_cast %scan3A_268 : i32 to index
        %get3A_280 = arith.constant 32 : index
        %get3A_281 = tpu.vector_load %arg6[%get3A_279, %get3A_280] {strides = array<i32>} : memref<200x64xf32, #tpu.memory_space<vmem>>, vector<1x16xf32>,
        %get3A_282 = vector.shape_cast %get3A_281 : vector<1x16xf32> to vector<16xf32>
        %add3A_283 = arith.addf %add3A_261, %get3A_282 : vector<16xf32>
        %get3A_284 = arith.index_cast %scan3A_268 : i32 to index
        %get3A_285 = arith.constant 48 : index
        %get3A_286 = tpu.vector_load %arg6[%get3A_284, %get3A_285] {strides = array<i32>} : memref<200x64xf32, #tpu.memory_space<vmem>>, vector<1x16xf32>,
        %get3A_287 = vector.shape_cast %get3A_286 : vector<1x16xf32> to vector<16xf32>
        %add3A_288 = arith.addf %add3A_266, %get3A_287 : vector<16xf32>
        %scan3A_289 = arith.constant 2 : i32
        %scan3A_290 = arith.addi %scan3A_243, %scan3A_289 : i32
        %get3A_291 = arith.index_cast %scan3A_290 : i32 to index
        %get3A_292 = arith.constant 0 : index
        %get3A_293 = tpu.vector_load %arg6[%get3A_291, %get3A_292] {strides = array<i32>} : memref<200x64xf32, #tpu.memory_space<vmem>>, vector<1x16xf32>,
        %get3A_294 = vector.shape_cast %get3A_293 : vector<1x16xf32> to vector<16xf32>
        %add3A_295 = arith.addf %add3A_273, %get3A_294 : vector<16xf32>
        %get3A_296 = arith.index_cast %scan3A_290 : i32 to index
        %get3A_297 = arith.constant 16 : index
        %get3A_298 = tpu.vector_load %arg6[%get3A_296, %get3A_297] {strides = array<i32>} : memref<200x64xf32, #tpu.memory_space<vmem>>, vector<1x16xf32>,
        %get3A_299 = vector.shape_cast %get3A_298 : vector<1x16xf32> to vector<16xf32>
        %add3A_300 = arith.addf %add3A_278, %get3A_299 : vector<16xf32>
        %get3A_301 = arith.index_cast %scan3A_290 : i32 to index
        %get3A_302 = arith.constant 32 : index
        %get3A_303 = tpu.vector_load %arg6[%get3A_301, %get3A_302] {strides = array<i32>} : memref<200x64xf32, #tpu.memory_space<vmem>>, vector<1x16xf32>,
        %get3A_304 = vector.shape_cast %get3A_303 : vector<1x16xf32> to vector<16xf32>
        %add3A_305 = arith.addf %add3A_283, %get3A_304 : vector<16xf32>
        %get3A_306 = arith.index_cast %scan3A_290 : i32 to index
        %get3A_307 = arith.constant 48 : index
        %get3A_308 = tpu.vector_load %arg6[%get3A_306, %get3A_307] {strides = array<i32>} : memref<200x64xf32, #tpu.memory_space<vmem>>, vector<1x16xf32>,
        %get3A_309 = vector.shape_cast %get3A_308 : vector<1x16xf32> to vector<16xf32>
        %add3A_310 = arith.addf %add3A_288, %get3A_309 : vector<16xf32>
        %scan3A_311 = arith.constant 3 : i32
        %scan3A_312 = arith.addi %scan3A_243, %scan3A_311 : i32
        %get3A_313 = arith.index_cast %scan3A_312 : i32 to index
        %get3A_314 = arith.constant 0 : index
        %get3A_315 = tpu.vector_load %arg6[%get3A_313, %get3A_314] {strides = array<i32>} : memref<200x64xf32, #tpu.memory_space<vmem>>, vector<1x16xf32>,
        %get3A_316 = vector.shape_cast %get3A_315 : vector<1x16xf32> to vector<16xf32>
        %add3A_317 = arith.addf %add3A_295, %get3A_316 : vector<16xf32>
        %get3A_318 = arith.index_cast %scan3A_312 : i32 to index
        %get3A_319 = arith.constant 16 : index
        %get3A_320 = tpu.vector_load %arg6[%get3A_318, %get3A_319] {strides = array<i32>} : memref<200x64xf32, #tpu.memory_space<vmem>>, vector<1x16xf32>,
        %get3A_321 = vector.shape_cast %get3A_320 : vector<1x16xf32> to vector<16xf32>
        %add3A_322 = arith.addf %add3A_300, %get3A_321 : vector<16xf32>
        %get3A_323 = arith.index_cast %scan3A_312 : i32 to index
        %get3A_324 = arith.constant 32 : index
        %get3A_325 = tpu.vector_load %arg6[%get3A_323, %get3A_324] {strides = array<i32>} : memref<200x64xf32, #tpu.memory_space<vmem>>, vector<1x16xf32>,
        %get3A_326 = vector.shape_cast %get3A_325 : vector<1x16xf32> to vector<16xf32>
        %add3A_327 = arith.addf %add3A_305, %get3A_326 : vector<16xf32>
        %get3A_328 = arith.index_cast %scan3A_312 : i32 to index
        %get3A_329 = arith.constant 48 : index
        %get3A_330 = tpu.vector_load %arg6[%get3A_328, %get3A_329] {strides = array<i32>} : memref<200x64xf32, #tpu.memory_space<vmem>>, vector<1x16xf32>,
        %get3A_331 = vector.shape_cast %get3A_330 : vector<1x16xf32> to vector<16xf32>
        %add3A_332 = arith.addf %add3A_310, %get3A_331 : vector<16xf32>
        %scan3A_333 = arith.constant 4 : i32
        %scan3A_334 = arith.addi %scan3A_243, %scan3A_333 : i32
        %get3A_335 = arith.index_cast %scan3A_334 : i32 to index
        %get3A_336 = arith.constant 0 : index
        %get3A_337 = tpu.vector_load %arg6[%get3A_335, %get3A_336] {strides = array<i32>} : memref<200x64xf32, #tpu.memory_space<vmem>>, vector<1x16xf32>,
        %get3A_338 = vector.shape_cast %get3A_337 : vector<1x16xf32> to vector<16xf32>
        %add3A_339 = arith.addf %add3A_317, %get3A_338 : vector<16xf32>
        %get3A_340 = arith.index_cast %scan3A_334 : i32 to index
        %get3A_341 = arith.constant 16 : index
        %get3A_342 = tpu.vector_load %arg6[%get3A_340, %get3A_341] {strides = array<i32>} : memref<200x64xf32, #tpu.memory_space<vmem>>, vector<1x16xf32>,
        %get3A_343 = vector.shape_cast %get3A_342 : vector<1x16xf32> to vector<16xf32>
        %add3A_344 = arith.addf %add3A_322, %get3A_343 : vector<16xf32>
        %get3A_345 = arith.index_cast %scan3A_334 : i32 to index
        %get3A_346 = arith.constant 32 : index
        %get3A_347 = tpu.vector_load %arg6[%get3A_345, %get3A_346] {strides = array<i32>} : memref<200x64xf32, #tpu.memory_space<vmem>>, vector<1x16xf32>,
        %get3A_348 = vector.shape_cast %get3A_347 : vector<1x16xf32> to vector<16xf32>
        %add3A_349 = arith.addf %add3A_327, %get3A_348 : vector<16xf32>
        %get3A_350 = arith.index_cast %scan3A_334 : i32 to index
        %get3A_351 = arith.constant 48 : index
        %get3A_352 = tpu.vector_load %arg6[%get3A_350, %get3A_351] {strides = array<i32>} : memref<200x64xf32, #tpu.memory_space<vmem>>, vector<1x16xf32>,
        %get3A_353 = vector.shape_cast %get3A_352 : vector<1x16xf32> to vector<16xf32>
        %add3A_354 = arith.addf %add3A_332, %get3A_353 : vector<16xf32>
        %scan3A_355 = arith.constant 5 : i32
        %scan3A_356 = arith.addi %scan3A_243, %scan3A_355 : i32
        %get3A_357 = arith.index_cast %scan3A_356 : i32 to index
        %get3A_358 = arith.constant 0 : index
        %get3A_359 = tpu.vector_load %arg6[%get3A_357, %get3A_358] {strides = array<i32>} : memref<200x64xf32, #tpu.memory_space<vmem>>, vector<1x16xf32>,
        %get3A_360 = vector.shape_cast %get3A_359 : vector<1x16xf32> to vector<16xf32>
        %add3A_361 = arith.addf %add3A_339, %get3A_360 : vector<16xf32>
        %get3A_362 = arith.index_cast %scan3A_356 : i32 to index
        %get3A_363 = arith.constant 16 : index
        %get3A_364 = tpu.vector_load %arg6[%get3A_362, %get3A_363] {strides = array<i32>} : memref<200x64xf32, #tpu.memory_space<vmem>>, vector<1x16xf32>,
        %get3A_365 = vector.shape_cast %get3A_364 : vector<1x16xf32> to vector<16xf32>
        %add3A_366 = arith.addf %add3A_344, %get3A_365 : vector<16xf32>
        %get3A_367 = arith.index_cast %scan3A_356 : i32 to index
        %get3A_368 = arith.constant 32 : index
        %get3A_369 = tpu.vector_load %arg6[%get3A_367, %get3A_368] {strides = array<i32>} : memref<200x64xf32, #tpu.memory_space<vmem>>, vector<1x16xf32>,
        %get3A_370 = vector.shape_cast %get3A_369 : vector<1x16xf32> to vector<16xf32>
        %add3A_371 = arith.addf %add3A_349, %get3A_370 : vector<16xf32>
        %get3A_372 = arith.index_cast %scan3A_356 : i32 to index
        %get3A_373 = arith.constant 48 : index
        %get3A_374 = tpu.vector_load %arg6[%get3A_372, %get3A_373] {strides = array<i32>} : memref<200x64xf32, #tpu.memory_space<vmem>>, vector<1x16xf32>,
        %get3A_375 = vector.shape_cast %get3A_374 : vector<1x16xf32> to vector<16xf32>
        %add3A_376 = arith.addf %add3A_354, %get3A_375 : vector<16xf32>
        %scan3A_377 = arith.constant 6 : i32
        %scan3A_378 = arith.addi %scan3A_243, %scan3A_377 : i32
        %get3A_379 = arith.index_cast %scan3A_378 : i32 to index
        %get3A_380 = arith.constant 0 : index
        %get3A_381 = tpu.vector_load %arg6[%get3A_379, %get3A_380] {strides = array<i32>} : memref<200x64xf32, #tpu.memory_space<vmem>>, vector<1x16xf32>,
        %get3A_382 = vector.shape_cast %get3A_381 : vector<1x16xf32> to vector<16xf32>
        %add3A_383 = arith.addf %add3A_361, %get3A_382 : vector<16xf32>
        %get3A_384 = arith.index_cast %scan3A_378 : i32 to index
        %get3A_385 = arith.constant 16 : index
        %get3A_386 = tpu.vector_load %arg6[%get3A_384, %get3A_385] {strides = array<i32>} : memref<200x64xf32, #tpu.memory_space<vmem>>, vector<1x16xf32>,
        %get3A_387 = vector.shape_cast %get3A_386 : vector<1x16xf32> to vector<16xf32>
        %add3A_388 = arith.addf %add3A_366, %get3A_387 : vector<16xf32>
        %get3A_389 = arith.index_cast %scan3A_378 : i32 to index
        %get3A_390 = arith.constant 32 : index
        %get3A_391 = tpu.vector_load %arg6[%get3A_389, %get3A_390] {strides = array<i32>} : memref<200x64xf32, #tpu.memory_space<vmem>>, vector<1x16xf32>,
        %get3A_392 = vector.shape_cast %get3A_391 : vector<1x16xf32> to vector<16xf32>
        %add3A_393 = arith.addf %add3A_371, %get3A_392 : vector<16xf32>
        %get3A_394 = arith.index_cast %scan3A_378 : i32 to index
        %get3A_395 = arith.constant 48 : index
        %get3A_396 = tpu.vector_load %arg6[%get3A_394, %get3A_395] {strides = array<i32>} : memref<200x64xf32, #tpu.memory_space<vmem>>, vector<1x16xf32>,
        %get3A_397 = vector.shape_cast %get3A_396 : vector<1x16xf32> to vector<16xf32>
        %add3A_398 = arith.addf %add3A_376, %get3A_397 : vector<16xf32>
        %scan3A_399 = arith.constant 7 : i32
        %scan3A_400 = arith.addi %scan3A_243, %scan3A_399 : i32
        %get3A_401 = arith.index_cast %scan3A_400 : i32 to index
        %get3A_402 = arith.constant 0 : index
        %get3A_403 = tpu.vector_load %arg6[%get3A_401, %get3A_402] {strides = array<i32>} : memref<200x64xf32, #tpu.memory_space<vmem>>, vector<1x16xf32>,
        %get3A_404 = vector.shape_cast %get3A_403 : vector<1x16xf32> to vector<16xf32>
        %add3A_405 = arith.addf %add3A_383, %get3A_404 : vector<16xf32>
        %get3A_406 = arith.index_cast %scan3A_400 : i32 to index
        %get3A_407 = arith.constant 16 : index
        %get3A_408 = tpu.vector_load %arg6[%get3A_406, %get3A_407] {strides = array<i32>} : memref<200x64xf32, #tpu.memory_space<vmem>>, vector<1x16xf32>,
        %get3A_409 = vector.shape_cast %get3A_408 : vector<1x16xf32> to vector<16xf32>
        %add3A_410 = arith.addf %add3A_388, %get3A_409 : vector<16xf32>
        %get3A_411 = arith.index_cast %scan3A_400 : i32 to index
        %get3A_412 = arith.constant 32 : index
        %get3A_413 = tpu.vector_load %arg6[%get3A_411, %get3A_412] {strides = array<i32>} : memref<200x64xf32, #tpu.memory_space<vmem>>, vector<1x16xf32>,
        %get3A_414 = vector.shape_cast %get3A_413 : vector<1x16xf32> to vector<16xf32>
        %add3A_415 = arith.addf %add3A_393, %get3A_414 : vector<16xf32>
        %get3A_416 = arith.index_cast %scan3A_400 : i32 to index
        %get3A_417 = arith.constant 48 : index
        %get3A_418 = tpu.vector_load %arg6[%get3A_416, %get3A_417] {strides = array<i32>} : memref<200x64xf32, #tpu.memory_space<vmem>>, vector<1x16xf32>,
        %get3A_419 = vector.shape_cast %get3A_418 : vector<1x16xf32> to vector<16xf32>
        %add3A_420 = arith.addf %add3A_398, %get3A_419 : vector<16xf32>
        %scan3A_421 = arith.constant 8 : i32
        %scan3A_422 = arith.addi %scan3A_243, %scan3A_421 : i32
        %get3A_423 = arith.index_cast %scan3A_422 : i32 to index
        %get3A_424 = arith.constant 0 : index
        %get3A_425 = tpu.vector_load %arg6[%get3A_423, %get3A_424] {strides = array<i32>} : memref<200x64xf32, #tpu.memory_space<vmem>>, vector<1x16xf32>,
        %get3A_426 = vector.shape_cast %get3A_425 : vector<1x16xf32> to vector<16xf32>
        %add3A_427 = arith.addf %add3A_405, %get3A_426 : vector<16xf32>
        %get3A_428 = arith.index_cast %scan3A_422 : i32 to index
        %get3A_429 = arith.constant 16 : index
        %get3A_430 = tpu.vector_load %arg6[%get3A_428, %get3A_429] {strides = array<i32>} : memref<200x64xf32, #tpu.memory_space<vmem>>, vector<1x16xf32>,
        %get3A_431 = vector.shape_cast %get3A_430 : vector<1x16xf32> to vector<16xf32>
        %add3A_432 = arith.addf %add3A_410, %get3A_431 : vector<16xf32>
        %get3A_433 = arith.index_cast %scan3A_422 : i32 to index
        %get3A_434 = arith.constant 32 : index
        %get3A_435 = tpu.vector_load %arg6[%get3A_433, %get3A_434] {strides = array<i32>} : memref<200x64xf32, #tpu.memory_space<vmem>>, vector<1x16xf32>,
        %get3A_436 = vector.shape_cast %get3A_435 : vector<1x16xf32> to vector<16xf32>
        %add3A_437 = arith.addf %add3A_415, %get3A_436 : vector<16xf32>
        %get3A_438 = arith.index_cast %scan3A_422 : i32 to index
        %get3A_439 = arith.constant 48 : index
        %get3A_440 = tpu.vector_load %arg6[%get3A_438, %get3A_439] {strides = array<i32>} : memref<200x64xf32, #tpu.memory_space<vmem>>, vector<1x16xf32>,
        %get3A_441 = vector.shape_cast %get3A_440 : vector<1x16xf32> to vector<16xf32>
        %add3A_442 = arith.addf %add3A_420, %get3A_441 : vector<16xf32>
        %scan3A_443 = arith.constant 9 : i32
        %scan3A_444 = arith.addi %scan3A_243, %scan3A_443 : i32
        %get3A_445 = arith.index_cast %scan3A_444 : i32 to index
        %get3A_446 = arith.constant 0 : index
        %get3A_447 = tpu.vector_load %arg6[%get3A_445, %get3A_446] {strides = array<i32>} : memref<200x64xf32, #tpu.memory_space<vmem>>, vector<1x16xf32>,
        %get3A_448 = vector.shape_cast %get3A_447 : vector<1x16xf32> to vector<16xf32>
        %add3A_449 = arith.addf %add3A_427, %get3A_448 : vector<16xf32>
        %get3A_450 = arith.index_cast %scan3A_444 : i32 to index
        %get3A_451 = arith.constant 16 : index
        %get3A_452 = tpu.vector_load %arg6[%get3A_450, %get3A_451] {strides = array<i32>} : memref<200x64xf32, #tpu.memory_space<vmem>>, vector<1x16xf32>,
        %get3A_453 = vector.shape_cast %get3A_452 : vector<1x16xf32> to vector<16xf32>
        %add3A_454 = arith.addf %add3A_432, %get3A_453 : vector<16xf32>
        %get3A_455 = arith.index_cast %scan3A_444 : i32 to index
        %get3A_456 = arith.constant 32 : index
        %get3A_457 = tpu.vector_load %arg6[%get3A_455, %get3A_456] {strides = array<i32>} : memref<200x64xf32, #tpu.memory_space<vmem>>, vector<1x16xf32>,
        %get3A_458 = vector.shape_cast %get3A_457 : vector<1x16xf32> to vector<16xf32>
        %add3A_459 = arith.addf %add3A_437, %get3A_458 : vector<16xf32>
        %get3A_460 = arith.index_cast %scan3A_444 : i32 to index
        %get3A_461 = arith.constant 48 : index
        %get3A_462 = tpu.vector_load %arg6[%get3A_460, %get3A_461] {strides = array<i32>} : memref<200x64xf32, #tpu.memory_space<vmem>>, vector<1x16xf32>,
        %get3A_463 = vector.shape_cast %get3A_462 : vector<1x16xf32> to vector<16xf32>
        %add3A_464 = arith.addf %add3A_442, %get3A_463 : vector<16xf32>
        %scan3A_465 = arith.constant 10 : i32
        %scan3A_466 = arith.addi %scan3A_243, %scan3A_465 : i32
        %get3A_467 = arith.index_cast %scan3A_466 : i32 to index
        %get3A_468 = arith.constant 0 : index
        %get3A_469 = tpu.vector_load %arg6[%get3A_467, %get3A_468] {strides = array<i32>} : memref<200x64xf32, #tpu.memory_space<vmem>>, vector<1x16xf32>,
        %get3A_470 = vector.shape_cast %get3A_469 : vector<1x16xf32> to vector<16xf32>
        %add3A_471 = arith.addf %add3A_449, %get3A_470 : vector<16xf32>
        %get3A_472 = arith.index_cast %scan3A_466 : i32 to index
        %get3A_473 = arith.constant 16 : index
        %get3A_474 = tpu.vector_load %arg6[%get3A_472, %get3A_473] {strides = array<i32>} : memref<200x64xf32, #tpu.memory_space<vmem>>, vector<1x16xf32>,
        %get3A_475 = vector.shape_cast %get3A_474 : vector<1x16xf32> to vector<16xf32>
        %add3A_476 = arith.addf %add3A_454, %get3A_475 : vector<16xf32>
        %get3A_477 = arith.index_cast %scan3A_466 : i32 to index
        %get3A_478 = arith.constant 32 : index
        %get3A_479 = tpu.vector_load %arg6[%get3A_477, %get3A_478] {strides = array<i32>} : memref<200x64xf32, #tpu.memory_space<vmem>>, vector<1x16xf32>,
        %get3A_480 = vector.shape_cast %get3A_479 : vector<1x16xf32> to vector<16xf32>
        %add3A_481 = arith.addf %add3A_459, %get3A_480 : vector<16xf32>
        %get3A_482 = arith.index_cast %scan3A_466 : i32 to index
        %get3A_483 = arith.constant 48 : index
        %get3A_484 = tpu.vector_load %arg6[%get3A_482, %get3A_483] {strides = array<i32>} : memref<200x64xf32, #tpu.memory_space<vmem>>, vector<1x16xf32>,
        %get3A_485 = vector.shape_cast %get3A_484 : vector<1x16xf32> to vector<16xf32>
        %add3A_486 = arith.addf %add3A_464, %get3A_485 : vector<16xf32>
        %scan3A_487 = arith.constant 11 : i32
        %scan3A_488 = arith.addi %scan3A_243, %scan3A_487 : i32
        %get3A_489 = arith.index_cast %scan3A_488 : i32 to index
        %get3A_490 = arith.constant 0 : index
        %get3A_491 = tpu.vector_load %arg6[%get3A_489, %get3A_490] {strides = array<i32>} : memref<200x64xf32, #tpu.memory_space<vmem>>, vector<1x16xf32>,
        %get3A_492 = vector.shape_cast %get3A_491 : vector<1x16xf32> to vector<16xf32>
        %add3A_493 = arith.addf %add3A_471, %get3A_492 : vector<16xf32>
        %get3A_494 = arith.index_cast %scan3A_488 : i32 to index
        %get3A_495 = arith.constant 16 : index
        %get3A_496 = tpu.vector_load %arg6[%get3A_494, %get3A_495] {strides = array<i32>} : memref<200x64xf32, #tpu.memory_space<vmem>>, vector<1x16xf32>,
        %get3A_497 = vector.shape_cast %get3A_496 : vector<1x16xf32> to vector<16xf32>
        %add3A_498 = arith.addf %add3A_476, %get3A_497 : vector<16xf32>
        %get3A_499 = arith.index_cast %scan3A_488 : i32 to index
        %get3A_500 = arith.constant 32 : index
        %get3A_501 = tpu.vector_load %arg6[%get3A_499, %get3A_500] {strides = array<i32>} : memref<200x64xf32, #tpu.memory_space<vmem>>, vector<1x16xf32>,
        %get3A_502 = vector.shape_cast %get3A_501 : vector<1x16xf32> to vector<16xf32>
        %add3A_503 = arith.addf %add3A_481, %get3A_502 : vector<16xf32>
        %get3A_504 = arith.index_cast %scan3A_488 : i32 to index
        %get3A_505 = arith.constant 48 : index
        %get3A_506 = tpu.vector_load %arg6[%get3A_504, %get3A_505] {strides = array<i32>} : memref<200x64xf32, #tpu.memory_space<vmem>>, vector<1x16xf32>,
        %get3A_507 = vector.shape_cast %get3A_506 : vector<1x16xf32> to vector<16xf32>
        %add3A_508 = arith.addf %add3A_486, %get3A_507 : vector<16xf32>
        %scan3A_509 = arith.constant 12 : i32
        %scan3A_510 = arith.addi %scan3A_243, %scan3A_509 : i32
        %get3A_511 = arith.index_cast %scan3A_510 : i32 to index
        %get3A_512 = arith.constant 0 : index
        %get3A_513 = tpu.vector_load %arg6[%get3A_511, %get3A_512] {strides = array<i32>} : memref<200x64xf32, #tpu.memory_space<vmem>>, vector<1x16xf32>,
        %get3A_514 = vector.shape_cast %get3A_513 : vector<1x16xf32> to vector<16xf32>
        %add3A_515 = arith.addf %add3A_493, %get3A_514 : vector<16xf32>
        %get3A_516 = arith.index_cast %scan3A_510 : i32 to index
        %get3A_517 = arith.constant 16 : index
        %get3A_518 = tpu.vector_load %arg6[%get3A_516, %get3A_517] {strides = array<i32>} : memref<200x64xf32, #tpu.memory_space<vmem>>, vector<1x16xf32>,
        %get3A_519 = vector.shape_cast %get3A_518 : vector<1x16xf32> to vector<16xf32>
        %add3A_520 = arith.addf %add3A_498, %get3A_519 : vector<16xf32>
        %get3A_521 = arith.index_cast %scan3A_510 : i32 to index
        %get3A_522 = arith.constant 32 : index
        %get3A_523 = tpu.vector_load %arg6[%get3A_521, %get3A_522] {strides = array<i32>} : memref<200x64xf32, #tpu.memory_space<vmem>>, vector<1x16xf32>,
        %get3A_524 = vector.shape_cast %get3A_523 : vector<1x16xf32> to vector<16xf32>
        %add3A_525 = arith.addf %add3A_503, %get3A_524 : vector<16xf32>
        %get3A_526 = arith.index_cast %scan3A_510 : i32 to index
        %get3A_527 = arith.constant 48 : index
        %get3A_528 = tpu.vector_load %arg6[%get3A_526, %get3A_527] {strides = array<i32>} : memref<200x64xf32, #tpu.memory_space<vmem>>, vector<1x16xf32>,
        %get3A_529 = vector.shape_cast %get3A_528 : vector<1x16xf32> to vector<16xf32>
        %add3A_530 = arith.addf %add3A_508, %get3A_529 : vector<16xf32>
        %scan3A_531 = arith.constant 13 : i32
        %scan3A_532 = arith.addi %scan3A_243, %scan3A_531 : i32
        %get3A_533 = arith.index_cast %scan3A_532 : i32 to index
        %get3A_534 = arith.constant 0 : index
        %get3A_535 = tpu.vector_load %arg6[%get3A_533, %get3A_534] {strides = array<i32>} : memref<200x64xf32, #tpu.memory_space<vmem>>, vector<1x16xf32>,
        %get3A_536 = vector.shape_cast %get3A_535 : vector<1x16xf32> to vector<16xf32>
        %add3A_537 = arith.addf %add3A_515, %get3A_536 : vector<16xf32>
        %get3A_538 = arith.index_cast %scan3A_532 : i32 to index
        %get3A_539 = arith.constant 16 : index
        %get3A_540 = tpu.vector_load %arg6[%get3A_538, %get3A_539] {strides = array<i32>} : memref<200x64xf32, #tpu.memory_space<vmem>>, vector<1x16xf32>,
        %get3A_541 = vector.shape_cast %get3A_540 : vector<1x16xf32> to vector<16xf32>
        %add3A_542 = arith.addf %add3A_520, %get3A_541 : vector<16xf32>
        %get3A_543 = arith.index_cast %scan3A_532 : i32 to index
        %get3A_544 = arith.constant 32 : index
        %get3A_545 = tpu.vector_load %arg6[%get3A_543, %get3A_544] {strides = array<i32>} : memref<200x64xf32, #tpu.memory_space<vmem>>, vector<1x16xf32>,
        %get3A_546 = vector.shape_cast %get3A_545 : vector<1x16xf32> to vector<16xf32>
        %add3A_547 = arith.addf %add3A_525, %get3A_546 : vector<16xf32>
        %get3A_548 = arith.index_cast %scan3A_532 : i32 to index
        %get3A_549 = arith.constant 48 : index
        %get3A_550 = tpu.vector_load %arg6[%get3A_548, %get3A_549] {strides = array<i32>} : memref<200x64xf32, #tpu.memory_space<vmem>>, vector<1x16xf32>,
        %get3A_551 = vector.shape_cast %get3A_550 : vector<1x16xf32> to vector<16xf32>
        %add3A_552 = arith.addf %add3A_530, %get3A_551 : vector<16xf32>
        %scan3A_553 = arith.constant 14 : i32
        %scan3A_554 = arith.addi %scan3A_243, %scan3A_553 : i32
        %get3A_555 = arith.index_cast %scan3A_554 : i32 to index
        %get3A_556 = arith.constant 0 : index
        %get3A_557 = tpu.vector_load %arg6[%get3A_555, %get3A_556] {strides = array<i32>} : memref<200x64xf32, #tpu.memory_space<vmem>>, vector<1x16xf32>,
        %get3A_558 = vector.shape_cast %get3A_557 : vector<1x16xf32> to vector<16xf32>
        %add3A_559 = arith.addf %add3A_537, %get3A_558 : vector<16xf32>
        %get3A_560 = arith.index_cast %scan3A_554 : i32 to index
        %get3A_561 = arith.constant 16 : index
        %get3A_562 = tpu.vector_load %arg6[%get3A_560, %get3A_561] {strides = array<i32>} : memref<200x64xf32, #tpu.memory_space<vmem>>, vector<1x16xf32>,
        %get3A_563 = vector.shape_cast %get3A_562 : vector<1x16xf32> to vector<16xf32>
        %add3A_564 = arith.addf %add3A_542, %get3A_563 : vector<16xf32>
        %get3A_565 = arith.index_cast %scan3A_554 : i32 to index
        %get3A_566 = arith.constant 32 : index
        %get3A_567 = tpu.vector_load %arg6[%get3A_565, %get3A_566] {strides = array<i32>} : memref<200x64xf32, #tpu.memory_space<vmem>>, vector<1x16xf32>,
        %get3A_568 = vector.shape_cast %get3A_567 : vector<1x16xf32> to vector<16xf32>
        %add3A_569 = arith.addf %add3A_547, %get3A_568 : vector<16xf32>
        %get3A_570 = arith.index_cast %scan3A_554 : i32 to index
        %get3A_571 = arith.constant 48 : index
        %get3A_572 = tpu.vector_load %arg6[%get3A_570, %get3A_571] {strides = array<i32>} : memref<200x64xf32, #tpu.memory_space<vmem>>, vector<1x16xf32>,
        %get3A_573 = vector.shape_cast %get3A_572 : vector<1x16xf32> to vector<16xf32>
        %add3A_574 = arith.addf %add3A_552, %get3A_573 : vector<16xf32>
        %scan3A_575 = arith.constant 15 : i32
        %scan3A_576 = arith.addi %scan3A_243, %scan3A_575 : i32
        %get3A_577 = arith.index_cast %scan3A_576 : i32 to index
        %get3A_578 = arith.constant 0 : index
        %get3A_579 = tpu.vector_load %arg6[%get3A_577, %get3A_578] {strides = array<i32>} : memref<200x64xf32, #tpu.memory_space<vmem>>, vector<1x16xf32>,
        %get3A_580 = vector.shape_cast %get3A_579 : vector<1x16xf32> to vector<16xf32>
        %add3A_581 = arith.addf %add3A_559, %get3A_580 : vector<16xf32>
        %get3A_582 = arith.index_cast %scan3A_576 : i32 to index
        %get3A_583 = arith.constant 16 : index
        %get3A_584 = tpu.vector_load %arg6[%get3A_582, %get3A_583] {strides = array<i32>} : memref<200x64xf32, #tpu.memory_space<vmem>>, vector<1x16xf32>,
        %get3A_585 = vector.shape_cast %get3A_584 : vector<1x16xf32> to vector<16xf32>
        %add3A_586 = arith.addf %add3A_564, %get3A_585 : vector<16xf32>
        %get3A_587 = arith.index_cast %scan3A_576 : i32 to index
        %get3A_588 = arith.constant 32 : index
        %get3A_589 = tpu.vector_load %arg6[%get3A_587, %get3A_588] {strides = array<i32>} : memref<200x64xf32, #tpu.memory_space<vmem>>, vector<1x16xf32>,
        %get3A_590 = vector.shape_cast %get3A_589 : vector<1x16xf32> to vector<16xf32>
        %add3A_591 = arith.addf %add3A_569, %get3A_590 : vector<16xf32>
        %get3A_592 = arith.index_cast %scan3A_576 : i32 to index
        %get3A_593 = arith.constant 48 : index
        %get3A_594 = tpu.vector_load %arg6[%get3A_592, %get3A_593] {strides = array<i32>} : memref<200x64xf32, #tpu.memory_space<vmem>>, vector<1x16xf32>,
        %get3A_595 = vector.shape_cast %get3A_594 : vector<1x16xf32> to vector<16xf32>
        %add3A_596 = arith.addf %add3A_574, %get3A_595 : vector<16xf32>
        %scan3A_597 = arith.constant 16 : i32
        %scan3A_598 = arith.addi %scan3A_243, %scan3A_597 : i32
        %get3A_599 = arith.index_cast %scan3A_598 : i32 to index
        %get3A_600 = arith.constant 0 : index
        %get3A_601 = tpu.vector_load %arg6[%get3A_599, %get3A_600] {strides = array<i32>} : memref<200x64xf32, #tpu.memory_space<vmem>>, vector<1x16xf32>,
        %get3A_602 = vector.shape_cast %get3A_601 : vector<1x16xf32> to vector<16xf32>
        %add3A_603 = arith.addf %add3A_581, %get3A_602 : vector<16xf32>
        %get3A_604 = arith.index_cast %scan3A_598 : i32 to index
        %get3A_605 = arith.constant 16 : index
        %get3A_606 = tpu.vector_load %arg6[%get3A_604, %get3A_605] {strides = array<i32>} : memref<200x64xf32, #tpu.memory_space<vmem>>, vector<1x16xf32>,
        %get3A_607 = vector.shape_cast %get3A_606 : vector<1x16xf32> to vector<16xf32>
        %add3A_608 = arith.addf %add3A_586, %get3A_607 : vector<16xf32>
        %get3A_609 = arith.index_cast %scan3A_598 : i32 to index
        %get3A_610 = arith.constant 32 : index
        %get3A_611 = tpu.vector_load %arg6[%get3A_609, %get3A_610] {strides = array<i32>} : memref<200x64xf32, #tpu.memory_space<vmem>>, vector<1x16xf32>,
        %get3A_612 = vector.shape_cast %get3A_611 : vector<1x16xf32> to vector<16xf32>
        %add3A_613 = arith.addf %add3A_591, %get3A_612 : vector<16xf32>
        %get3A_614 = arith.index_cast %scan3A_598 : i32 to index
        %get3A_615 = arith.constant 48 : index
        %get3A_616 = tpu.vector_load %arg6[%get3A_614, %get3A_615] {strides = array<i32>} : memref<200x64xf32, #tpu.memory_space<vmem>>, vector<1x16xf32>,
        %get3A_617 = vector.shape_cast %get3A_616 : vector<1x16xf32> to vector<16xf32>
        %add3A_618 = arith.addf %add3A_596, %get3A_617 : vector<16xf32>
        %scan3A_619 = arith.constant 17 : i32
        %scan3A_620 = arith.addi %scan3A_243, %scan3A_619 : i32
        %get3A_621 = arith.index_cast %scan3A_620 : i32 to index
        %get3A_622 = arith.constant 0 : index
        %get3A_623 = tpu.vector_load %arg6[%get3A_621, %get3A_622] {strides = array<i32>} : memref<200x64xf32, #tpu.memory_space<vmem>>, vector<1x16xf32>,
        %get3A_624 = vector.shape_cast %get3A_623 : vector<1x16xf32> to vector<16xf32>
        %add3A_625 = arith.addf %add3A_603, %get3A_624 : vector<16xf32>
        %get3A_626 = arith.index_cast %scan3A_620 : i32 to index
        %get3A_627 = arith.constant 16 : index
        %get3A_628 = tpu.vector_load %arg6[%get3A_626, %get3A_627] {strides = array<i32>} : memref<200x64xf32, #tpu.memory_space<vmem>>, vector<1x16xf32>,
        %get3A_629 = vector.shape_cast %get3A_628 : vector<1x16xf32> to vector<16xf32>
        %add3A_630 = arith.addf %add3A_608, %get3A_629 : vector<16xf32>
        %get3A_631 = arith.index_cast %scan3A_620 : i32 to index
        %get3A_632 = arith.constant 32 : index
        %get3A_633 = tpu.vector_load %arg6[%get3A_631, %get3A_632] {strides = array<i32>} : memref<200x64xf32, #tpu.memory_space<vmem>>, vector<1x16xf32>,
        %get3A_634 = vector.shape_cast %get3A_633 : vector<1x16xf32> to vector<16xf32>
        %add3A_635 = arith.addf %add3A_613, %get3A_634 : vector<16xf32>
        %get3A_636 = arith.index_cast %scan3A_620 : i32 to index
        %get3A_637 = arith.constant 48 : index
        %get3A_638 = tpu.vector_load %arg6[%get3A_636, %get3A_637] {strides = array<i32>} : memref<200x64xf32, #tpu.memory_space<vmem>>, vector<1x16xf32>,
        %get3A_639 = vector.shape_cast %get3A_638 : vector<1x16xf32> to vector<16xf32>
        %add3A_640 = arith.addf %add3A_618, %get3A_639 : vector<16xf32>
        %scan3A_641 = arith.constant 18 : i32
        %scan3A_642 = arith.addi %scan3A_243, %scan3A_641 : i32
        %get3A_643 = arith.index_cast %scan3A_642 : i32 to index
        %get3A_644 = arith.constant 0 : index
        %get3A_645 = tpu.vector_load %arg6[%get3A_643, %get3A_644] {strides = array<i32>} : memref<200x64xf32, #tpu.memory_space<vmem>>, vector<1x16xf32>,
        %get3A_646 = vector.shape_cast %get3A_645 : vector<1x16xf32> to vector<16xf32>
        %add3A_647 = arith.addf %add3A_625, %get3A_646 : vector<16xf32>
        %get3A_648 = arith.index_cast %scan3A_642 : i32 to index
        %get3A_649 = arith.constant 16 : index
        %get3A_650 = tpu.vector_load %arg6[%get3A_648, %get3A_649] {strides = array<i32>} : memref<200x64xf32, #tpu.memory_space<vmem>>, vector<1x16xf32>,
        %get3A_651 = vector.shape_cast %get3A_650 : vector<1x16xf32> to vector<16xf32>
        %add3A_652 = arith.addf %add3A_630, %get3A_651 : vector<16xf32>
        %get3A_653 = arith.index_cast %scan3A_642 : i32 to index
        %get3A_654 = arith.constant 32 : index
        %get3A_655 = tpu.vector_load %arg6[%get3A_653, %get3A_654] {strides = array<i32>} : memref<200x64xf32, #tpu.memory_space<vmem>>, vector<1x16xf32>,
        %get3A_656 = vector.shape_cast %get3A_655 : vector<1x16xf32> to vector<16xf32>
        %add3A_657 = arith.addf %add3A_635, %get3A_656 : vector<16xf32>
        %get3A_658 = arith.index_cast %scan3A_642 : i32 to index
        %get3A_659 = arith.constant 48 : index
        %get3A_660 = tpu.vector_load %arg6[%get3A_658, %get3A_659] {strides = array<i32>} : memref<200x64xf32, #tpu.memory_space<vmem>>, vector<1x16xf32>,
        %get3A_661 = vector.shape_cast %get3A_660 : vector<1x16xf32> to vector<16xf32>
        %add3A_662 = arith.addf %add3A_640, %get3A_661 : vector<16xf32>
        %scan3A_663 = arith.constant 19 : i32
        %scan3A_664 = arith.addi %scan3A_243, %scan3A_663 : i32
        %get3A_665 = arith.index_cast %scan3A_664 : i32 to index
        %get3A_666 = arith.constant 0 : index
        %get3A_667 = tpu.vector_load %arg6[%get3A_665, %get3A_666] {strides = array<i32>} : memref<200x64xf32, #tpu.memory_space<vmem>>, vector<1x16xf32>,
        %get3A_668 = vector.shape_cast %get3A_667 : vector<1x16xf32> to vector<16xf32>
        %add3A_669 = arith.addf %add3A_647, %get3A_668 : vector<16xf32>
        %get3A_670 = arith.index_cast %scan3A_664 : i32 to index
        %get3A_671 = arith.constant 16 : index
        %get3A_672 = tpu.vector_load %arg6[%get3A_670, %get3A_671] {strides = array<i32>} : memref<200x64xf32, #tpu.memory_space<vmem>>, vector<1x16xf32>,
        %get3A_673 = vector.shape_cast %get3A_672 : vector<1x16xf32> to vector<16xf32>
        %add3A_674 = arith.addf %add3A_652, %get3A_673 : vector<16xf32>
        %get3A_675 = arith.index_cast %scan3A_664 : i32 to index
        %get3A_676 = arith.constant 32 : index
        %get3A_677 = tpu.vector_load %arg6[%get3A_675, %get3A_676] {strides = array<i32>} : memref<200x64xf32, #tpu.memory_space<vmem>>, vector<1x16xf32>,
        %get3A_678 = vector.shape_cast %get3A_677 : vector<1x16xf32> to vector<16xf32>
        %add3A_679 = arith.addf %add3A_657, %get3A_678 : vector<16xf32>
        %get3A_680 = arith.index_cast %scan3A_664 : i32 to index
        %get3A_681 = arith.constant 48 : index
        %get3A_682 = tpu.vector_load %arg6[%get3A_680, %get3A_681] {strides = array<i32>} : memref<200x64xf32, #tpu.memory_space<vmem>>, vector<1x16xf32>,
        %get3A_683 = vector.shape_cast %get3A_682 : vector<1x16xf32> to vector<16xf32>
        %add3A_684 = arith.addf %add3A_662, %get3A_683 : vector<16xf32>
        scf.yield %add3A_669, %add3A_674, %add3A_679, %add3A_684 : vector<16xf32>, vector<16xf32>, vector<16xf32>, vector<16xf32>
      }
      %scan3A_123 = arith.constant 200 : i32
      %swap3A = arith.index_cast %add3A_97 : i32 to index
      %swap3A_124 = arith.constant 0 : index
      %swap3A_125 = tpu.vector_load %arg8[%swap3A, %swap3A_124] {strides = array<i32>} : memref<128x64xf32, #tpu.memory_space<vmem>>, vector<1x16xf32>,
      %swap3A_126 = vector.shape_cast %swap3A_125 : vector<1x16xf32> to vector<16xf32>
      %swap3A_127 = vector.shape_cast %scan3A_122#0 : vector<16xf32> to vector<1x16xf32>
      tpu.vector_store %arg8[%swap3A, %swap3A_124], %swap3A_127 {strides = array<i32>} : memref<128x64xf32, #tpu.memory_space<vmem>>, vector<1x16xf32>,
      %swap3A_128 = arith.index_cast %add3A_97 : i32 to index
      %swap3A_129 = arith.constant 16 : index
      %swap3A_130 = tpu.vector_load %arg8[%swap3A_128, %swap3A_129] {strides = array<i32>} : memref<128x64xf32, #tpu.memory_space<vmem>>, vector<1x16xf32>,
      %swap3A_131 = vector.shape_cast %swap3A_130 : vector<1x16xf32> to vector<16xf32>
      %swap3A_132 = vector.shape_cast %scan3A_122#1 : vector<16xf32> to vector<1x16xf32>
      tpu.vector_store %arg8[%swap3A_128, %swap3A_129], %swap3A_132 {strides = array<i32>} : memref<128x64xf32, #tpu.memory_space<vmem>>, vector<1x16xf32>,
      %swap3A_133 = arith.index_cast %add3A_97 : i32 to index
      %swap3A_134 = arith.constant 32 : index
      %swap3A_135 = tpu.vector_load %arg8[%swap3A_133, %swap3A_134] {strides = array<i32>} : memref<128x64xf32, #tpu.memory_space<vmem>>, vector<1x16xf32>,
      %swap3A_136 = vector.shape_cast %swap3A_135 : vector<1x16xf32> to vector<16xf32>
      %swap3A_137 = vector.shape_cast %scan3A_122#2 : vector<16xf32> to vector<1x16xf32>
      tpu.vector_store %arg8[%swap3A_133, %swap3A_134], %swap3A_137 {strides = array<i32>} : memref<128x64xf32, #tpu.memory_space<vmem>>, vector<1x16xf32>,
      %swap3A_138 = arith.index_cast %add3A_97 : i32 to index
      %swap3A_139 = arith.constant 48 : index
      %swap3A_140 = tpu.vector_load %arg8[%swap3A_138, %swap3A_139] {strides = array<i32>} : memref<128x64xf32, #tpu.memory_space<vmem>>, vector<1x16xf32>,
      %swap3A_141 = vector.shape_cast %swap3A_140 : vector<1x16xf32> to vector<16xf32>
      %swap3A_142 = vector.shape_cast %scan3A_122#3 : vector<16xf32> to vector<1x16xf32>
      tpu.vector_store %arg8[%swap3A_138, %swap3A_139], %swap3A_142 {strides = array<i32>} : memref<128x64xf32, #tpu.memory_space<vmem>>, vector<1x16xf32>,
      %add3A_143 = arith.constant 2 : i32
      %add3A_144 = arith.addi %add3A_97, %add3A_143 : i32
      %mul3A_145 = arith.constant 2 : i32
      %mul3A_146 = arith.muli %mul3A_145, %add3A_144 : i32
      %min3A_147 = arith.constant 254 : i32
      %min3A_148 = arith.minsi %mul3A_146, %min3A_147 : i32
      %dma_start3A_149 = arith.constant 0 : i32
      %dma_start3A_150 = arith.constant 0 : i32
      %dma_start3A_151 = tpu.memref_slice %arg6[%dma_start3A_149, %dma_start3A_150] : memref<200x64xf32, #tpu.memory_space<vmem>> -> memref<100x64xf32, #tpu.memory_space<vmem>>
      %dma_start3A_152 = arith.constant 0 : i32
      %dma_start3A_153 = tpu.memref_slice %arg5[%min3A_148, %dma_start3A_152] : memref<256x100xi32, #tpu.memory_space<vmem>> -> memref<1x100xi32, #tpu.memory_space<vmem>>
      %dma_start3A_154 = tpu.memref_squeeze %dma_start3A_153 : memref<1x100xi32, #tpu.memory_space<vmem>> -> memref<100xi32, #tpu.memory_space<vmem>>
      %dma_start3A_155 = arith.constant 0 : i32
      %dma_start3A_156 = arith.constant 0 : i32
      %dma_start3A_157 = tpu.memref_slice %arg2[%dma_start3A_155, %dma_start3A_156] : memref<2000000x64xf32, #tpu.memory_space<hbm>> -> memref<2000000x64xf32, #tpu.memory_space<hbm>>
      tpu.enqueue_indirect_dma source(%dma_start3A_157 : memref<2000000x64xf32, #tpu.memory_space<hbm>>) target(%dma_start3A_151 : memref<100x64xf32, #tpu.memory_space<vmem>>) offsets(%dma_start3A_154 : memref<100xi32, #tpu.memory_space<vmem>>) semaphore(%arg9 : memref<!tpu.dma_semaphore, #tpu.memory_space<semaphore_mem>>)
      %add3A_158 = arith.constant 1 : i32
      %add3A_159 = arith.addi %min3A_148, %add3A_158 : i32
      %dma_start3A_160 = arith.constant 100 : i32
      %dma_start3A_161 = arith.constant 0 : i32
      %dma_start3A_162 = tpu.memref_slice %arg6[%dma_start3A_160, %dma_start3A_161] : memref<200x64xf32, #tpu.memory_space<vmem>> -> memref<100x64xf32, #tpu.memory_space<vmem>>
      %dma_start3A_163 = arith.constant 0 : i32
      %dma_start3A_164 = tpu.memref_slice %arg5[%add3A_159, %dma_start3A_163] : memref<256x100xi32, #tpu.memory_space<vmem>> -> memref<1x100xi32, #tpu.memory_space<vmem>>
      %dma_start3A_165 = tpu.memref_squeeze %dma_start3A_164 : memref<1x100xi32, #tpu.memory_space<vmem>> -> memref<100xi32, #tpu.memory_space<vmem>>
      %dma_start3A_166 = arith.constant 0 : i32
      %dma_start3A_167 = arith.constant 0 : i32
      %dma_start3A_168 = tpu.memref_slice %arg2[%dma_start3A_166, %dma_start3A_167] : memref<2000000x64xf32, #tpu.memory_space<hbm>> -> memref<2000000x64xf32, #tpu.memory_space<hbm>>
      tpu.enqueue_indirect_dma source(%dma_start3A_168 : memref<2000000x64xf32, #tpu.memory_space<hbm>>) target(%dma_start3A_162 : memref<100x64xf32, #tpu.memory_space<vmem>>) offsets(%dma_start3A_165 : memref<100xi32, #tpu.memory_space<vmem>>) semaphore(%arg9 : memref<!tpu.dma_semaphore, #tpu.memory_space<semaphore_mem>>)
      %dma_wait3A_169 = arith.constant 0 : i32
      %dma_wait3A_170 = arith.constant 0 : i32
      %dma_wait3A_171 = arith.constant 0 : i32
      %dma_wait3A_172 = tpu.memref_slice %arg7[%dma_wait3A_170, %dma_wait3A_171] : memref<200x64xf32, #tpu.memory_space<vmem>> -> memref<100x64xf32, #tpu.memory_space<vmem>>
      %dma_wait3A_173 = arith.constant 0 : i32
      %dma_wait3A_174 = tpu.memref_slice %arg5[%dma_wait3A_169, %dma_wait3A_173] : memref<256x100xi32, #tpu.memory_space<vmem>> -> memref<1x100xi32, #tpu.memory_space<vmem>>
      %dma_wait3A_175 = tpu.memref_squeeze %dma_wait3A_174 : memref<1x100xi32, #tpu.memory_space<vmem>> -> memref<100xi32, #tpu.memory_space<vmem>>
      %dma_wait3A_176 = arith.constant 0 : i32
      %dma_wait3A_177 = arith.constant 0 : i32
      %dma_wait3A_178 = tpu.memref_slice %arg2[%dma_wait3A_176, %dma_wait3A_177] : memref<2000000x64xf32, #tpu.memory_space<hbm>> -> memref<2000000x64xf32, #tpu.memory_space<hbm>>
      tpu.wait_indirect_dma semaphore(%arg10 : memref<!tpu.dma_semaphore, #tpu.memory_space<semaphore_mem>>) src(%dma_wait3A_178 : memref<2000000x64xf32, #tpu.memory_space<hbm>>) dst(%dma_wait3A_172 : memref<100x64xf32, #tpu.memory_space<vmem>>)
      %dma_wait3A_179 = arith.constant 0 : i32
      %dma_wait3A_180 = arith.constant 100 : i32
      %dma_wait3A_181 = arith.constant 0 : i32
      %dma_wait3A_182 = tpu.memref_slice %arg7[%dma_wait3A_180, %dma_wait3A_181] : memref<200x64xf32, #tpu.memory_space<vmem>> -> memref<100x64xf32, #tpu.memory_space<vmem>>
      %dma_wait3A_183 = arith.constant 0 : i32
      %dma_wait3A_184 = tpu.memref_slice %arg5[%dma_wait3A_179, %dma_wait3A_183] : memref<256x100xi32, #tpu.memory_space<vmem>> -> memref<1x100xi32, #tpu.memory_space<vmem>>
      %dma_wait3A_185 = tpu.memref_squeeze %dma_wait3A_184 : memref<1x100xi32, #tpu.memory_space<vmem>> -> memref<100xi32, #tpu.memory_space<vmem>>
      %dma_wait3A_186 = arith.constant 0 : i32
      %dma_wait3A_187 = arith.constant 0 : i32
      %dma_wait3A_188 = tpu.memref_slice %arg2[%dma_wait3A_186, %dma_wait3A_187] : memref<2000000x64xf32, #tpu.memory_space<hbm>> -> memref<2000000x64xf32, #tpu.memory_space<hbm>>
      tpu.wait_indirect_dma semaphore(%arg10 : memref<!tpu.dma_semaphore, #tpu.memory_space<semaphore_mem>>) src(%dma_wait3A_188 : memref<2000000x64xf32, #tpu.memory_space<hbm>>) dst(%dma_wait3A_182 : memref<100x64xf32, #tpu.memory_space<vmem>>)
      %add3A_189 = arith.constant 1 : i32
      %add3A_190 = arith.addi %add3A_97, %add3A_189 : i32
      %scan3A_191 = arith.constant 0 : i32
      %scan3A_192 = arith.constant 200 : i32
      %scan3A_193 = arith.addi %scan3A_191, %scan3A_192 : i32
      %scan3A_194 = arith.constant 20 : i32
      %scan3A_195:4 = scf.for %scan3A_243 = %scan3A_191 to %scan3A_193 step %scan3A_194 iter_args(%scan3A_244 = %broadcast_in_dim3A_3, %scan3A_245 = %broadcast_in_dim3A_3, %scan3A_246 = %broadcast_in_dim3A_3, %scan3A_247 = %broadcast_in_dim3A_3) -> (vector<16xf32>, vector<16xf32>, vector<16xf32>, vector<16xf32>)  : i32 {
        %get3A = arith.index_cast %scan3A_243 : i32 to index
        %get3A_248 = arith.constant 0 : index
        %get3A_249 = tpu.vector_load %arg7[%get3A, %get3A_248] {strides = array<i32>} : memref<200x64xf32, #tpu.memory_space<vmem>>, vector<1x16xf32>,
        %get3A_250 = vector.shape_cast %get3A_249 : vector<1x16xf32> to vector<16xf32>
        %add3A_251 = arith.addf %scan3A_244, %get3A_250 : vector<16xf32>
        %get3A_252 = arith.index_cast %scan3A_243 : i32 to index
        %get3A_253 = arith.constant 16 : index
        %get3A_254 = tpu.vector_load %arg7[%get3A_252, %get3A_253] {strides = array<i32>} : memref<200x64xf32, #tpu.memory_space<vmem>>, vector<1x16xf32>,
        %get3A_255 = vector.shape_cast %get3A_254 : vector<1x16xf32> to vector<16xf32>
        %add3A_256 = arith.addf %scan3A_245, %get3A_255 : vector<16xf32>
        %get3A_257 = arith.index_cast %scan3A_243 : i32 to index
        %get3A_258 = arith.constant 32 : index
        %get3A_259 = tpu.vector_load %arg7[%get3A_257, %get3A_258] {strides = array<i32>} : memref<200x64xf32, #tpu.memory_space<vmem>>, vector<1x16xf32>,
        %get3A_260 = vector.shape_cast %get3A_259 : vector<1x16xf32> to vector<16xf32>
        %add3A_261 = arith.addf %scan3A_246, %get3A_260 : vector<16xf32>
        %get3A_262 = arith.index_cast %scan3A_243 : i32 to index
        %get3A_263 = arith.constant 48 : index
        %get3A_264 = tpu.vector_load %arg7[%get3A_262, %get3A_263] {strides = array<i32>} : memref<200x64xf32, #tpu.memory_space<vmem>>, vector<1x16xf32>,
        %get3A_265 = vector.shape_cast %get3A_264 : vector<1x16xf32> to vector<16xf32>
        %add3A_266 = arith.addf %scan3A_247, %get3A_265 : vector<16xf32>
        %scan3A_267 = arith.constant 1 : i32
        %scan3A_268 = arith.addi %scan3A_243, %scan3A_267 : i32
        %get3A_269 = arith.index_cast %scan3A_268 : i32 to index
        %get3A_270 = arith.constant 0 : index
        %get3A_271 = tpu.vector_load %arg7[%get3A_269, %get3A_270] {strides = array<i32>} : memref<200x64xf32, #tpu.memory_space<vmem>>, vector<1x16xf32>,
        %get3A_272 = vector.shape_cast %get3A_271 : vector<1x16xf32> to vector<16xf32>
        %add3A_273 = arith.addf %add3A_251, %get3A_272 : vector<16xf32>
        %get3A_274 = arith.index_cast %scan3A_268 : i32 to index
        %get3A_275 = arith.constant 16 : index
        %get3A_276 = tpu.vector_load %arg7[%get3A_274, %get3A_275] {strides = array<i32>} : memref<200x64xf32, #tpu.memory_space<vmem>>, vector<1x16xf32>,
        %get3A_277 = vector.shape_cast %get3A_276 : vector<1x16xf32> to vector<16xf32>
        %add3A_278 = arith.addf %add3A_256, %get3A_277 : vector<16xf32>
        %get3A_279 = arith.index_cast %scan3A_268 : i32 to index
        %get3A_280 = arith.constant 32 : index
        %get3A_281 = tpu.vector_load %arg7[%get3A_279, %get3A_280] {strides = array<i32>} : memref<200x64xf32, #tpu.memory_space<vmem>>, vector<1x16xf32>,
        %get3A_282 = vector.shape_cast %get3A_281 : vector<1x16xf32> to vector<16xf32>
        %add3A_283 = arith.addf %add3A_261, %get3A_282 : vector<16xf32>
        %get3A_284 = arith.index_cast %scan3A_268 : i32 to index
        %get3A_285 = arith.constant 48 : index
        %get3A_286 = tpu.vector_load %arg7[%get3A_284, %get3A_285] {strides = array<i32>} : memref<200x64xf32, #tpu.memory_space<vmem>>, vector<1x16xf32>,
        %get3A_287 = vector.shape_cast %get3A_286 : vector<1x16xf32> to vector<16xf32>
        %add3A_288 = arith.addf %add3A_266, %get3A_287 : vector<16xf32>
        %scan3A_289 = arith.constant 2 : i32
        %scan3A_290 = arith.addi %scan3A_243, %scan3A_289 : i32
        %get3A_291 = arith.index_cast %scan3A_290 : i32 to index
        %get3A_292 = arith.constant 0 : index
        %get3A_293 = tpu.vector_load %arg7[%get3A_291, %get3A_292] {strides = array<i32>} : memref<200x64xf32, #tpu.memory_space<vmem>>, vector<1x16xf32>,
        %get3A_294 = vector.shape_cast %get3A_293 : vector<1x16xf32> to vector<16xf32>
        %add3A_295 = arith.addf %add3A_273, %get3A_294 : vector<16xf32>
        %get3A_296 = arith.index_cast %scan3A_290 : i32 to index
        %get3A_297 = arith.constant 16 : index
        %get3A_298 = tpu.vector_load %arg7[%get3A_296, %get3A_297] {strides = array<i32>} : memref<200x64xf32, #tpu.memory_space<vmem>>, vector<1x16xf32>,
        %get3A_299 = vector.shape_cast %get3A_298 : vector<1x16xf32> to vector<16xf32>
        %add3A_300 = arith.addf %add3A_278, %get3A_299 : vector<16xf32>
        %get3A_301 = arith.index_cast %scan3A_290 : i32 to index
        %get3A_302 = arith.constant 32 : index
        %get3A_303 = tpu.vector_load %arg7[%get3A_301, %get3A_302] {strides = array<i32>} : memref<200x64xf32, #tpu.memory_space<vmem>>, vector<1x16xf32>,
        %get3A_304 = vector.shape_cast %get3A_303 : vector<1x16xf32> to vector<16xf32>
        %add3A_305 = arith.addf %add3A_283, %get3A_304 : vector<16xf32>
        %get3A_306 = arith.index_cast %scan3A_290 : i32 to index
        %get3A_307 = arith.constant 48 : index
        %get3A_308 = tpu.vector_load %arg7[%get3A_306, %get3A_307] {strides = array<i32>} : memref<200x64xf32, #tpu.memory_space<vmem>>, vector<1x16xf32>,
        %get3A_309 = vector.shape_cast %get3A_308 : vector<1x16xf32> to vector<16xf32>
        %add3A_310 = arith.addf %add3A_288, %get3A_309 : vector<16xf32>
        %scan3A_311 = arith.constant 3 : i32
        %scan3A_312 = arith.addi %scan3A_243, %scan3A_311 : i32
        %get3A_313 = arith.index_cast %scan3A_312 : i32 to index
        %get3A_314 = arith.constant 0 : index
        %get3A_315 = tpu.vector_load %arg7[%get3A_313, %get3A_314] {strides = array<i32>} : memref<200x64xf32, #tpu.memory_space<vmem>>, vector<1x16xf32>,
        %get3A_316 = vector.shape_cast %get3A_315 : vector<1x16xf32> to vector<16xf32>
        %add3A_317 = arith.addf %add3A_295, %get3A_316 : vector<16xf32>
        %get3A_318 = arith.index_cast %scan3A_312 : i32 to index
        %get3A_319 = arith.constant 16 : index
        %get3A_320 = tpu.vector_load %arg7[%get3A_318, %get3A_319] {strides = array<i32>} : memref<200x64xf32, #tpu.memory_space<vmem>>, vector<1x16xf32>,
        %get3A_321 = vector.shape_cast %get3A_320 : vector<1x16xf32> to vector<16xf32>
        %add3A_322 = arith.addf %add3A_300, %get3A_321 : vector<16xf32>
        %get3A_323 = arith.index_cast %scan3A_312 : i32 to index
        %get3A_324 = arith.constant 32 : index
        %get3A_325 = tpu.vector_load %arg7[%get3A_323, %get3A_324] {strides = array<i32>} : memref<200x64xf32, #tpu.memory_space<vmem>>, vector<1x16xf32>,
        %get3A_326 = vector.shape_cast %get3A_325 : vector<1x16xf32> to vector<16xf32>
        %add3A_327 = arith.addf %add3A_305, %get3A_326 : vector<16xf32>
        %get3A_328 = arith.index_cast %scan3A_312 : i32 to index
        %get3A_329 = arith.constant 48 : index
        %get3A_330 = tpu.vector_load %arg7[%get3A_328, %get3A_329] {strides = array<i32>} : memref<200x64xf32, #tpu.memory_space<vmem>>, vector<1x16xf32>,
        %get3A_331 = vector.shape_cast %get3A_330 : vector<1x16xf32> to vector<16xf32>
        %add3A_332 = arith.addf %add3A_310, %get3A_331 : vector<16xf32>
        %scan3A_333 = arith.constant 4 : i32
        %scan3A_334 = arith.addi %scan3A_243, %scan3A_333 : i32
        %get3A_335 = arith.index_cast %scan3A_334 : i32 to index
        %get3A_336 = arith.constant 0 : index
        %get3A_337 = tpu.vector_load %arg7[%get3A_335, %get3A_336] {strides = array<i32>} : memref<200x64xf32, #tpu.memory_space<vmem>>, vector<1x16xf32>,
        %get3A_338 = vector.shape_cast %get3A_337 : vector<1x16xf32> to vector<16xf32>
        %add3A_339 = arith.addf %add3A_317, %get3A_338 : vector<16xf32>
        %get3A_340 = arith.index_cast %scan3A_334 : i32 to index
        %get3A_341 = arith.constant 16 : index
        %get3A_342 = tpu.vector_load %arg7[%get3A_340, %get3A_341] {strides = array<i32>} : memref<200x64xf32, #tpu.memory_space<vmem>>, vector<1x16xf32>,
        %get3A_343 = vector.shape_cast %get3A_342 : vector<1x16xf32> to vector<16xf32>
        %add3A_344 = arith.addf %add3A_322, %get3A_343 : vector<16xf32>
        %get3A_345 = arith.index_cast %scan3A_334 : i32 to index
        %get3A_346 = arith.constant 32 : index
        %get3A_347 = tpu.vector_load %arg7[%get3A_345, %get3A_346] {strides = array<i32>} : memref<200x64xf32, #tpu.memory_space<vmem>>, vector<1x16xf32>,
        %get3A_348 = vector.shape_cast %get3A_347 : vector<1x16xf32> to vector<16xf32>
        %add3A_349 = arith.addf %add3A_327, %get3A_348 : vector<16xf32>
        %get3A_350 = arith.index_cast %scan3A_334 : i32 to index
        %get3A_351 = arith.constant 48 : index
        %get3A_352 = tpu.vector_load %arg7[%get3A_350, %get3A_351] {strides = array<i32>} : memref<200x64xf32, #tpu.memory_space<vmem>>, vector<1x16xf32>,
        %get3A_353 = vector.shape_cast %get3A_352 : vector<1x16xf32> to vector<16xf32>
        %add3A_354 = arith.addf %add3A_332, %get3A_353 : vector<16xf32>
        %scan3A_355 = arith.constant 5 : i32
        %scan3A_356 = arith.addi %scan3A_243, %scan3A_355 : i32
        %get3A_357 = arith.index_cast %scan3A_356 : i32 to index
        %get3A_358 = arith.constant 0 : index
        %get3A_359 = tpu.vector_load %arg7[%get3A_357, %get3A_358] {strides = array<i32>} : memref<200x64xf32, #tpu.memory_space<vmem>>, vector<1x16xf32>,
        %get3A_360 = vector.shape_cast %get3A_359 : vector<1x16xf32> to vector<16xf32>
        %add3A_361 = arith.addf %add3A_339, %get3A_360 : vector<16xf32>
        %get3A_362 = arith.index_cast %scan3A_356 : i32 to index
        %get3A_363 = arith.constant 16 : index
        %get3A_364 = tpu.vector_load %arg7[%get3A_362, %get3A_363] {strides = array<i32>} : memref<200x64xf32, #tpu.memory_space<vmem>>, vector<1x16xf32>,
        %get3A_365 = vector.shape_cast %get3A_364 : vector<1x16xf32> to vector<16xf32>
        %add3A_366 = arith.addf %add3A_344, %get3A_365 : vector<16xf32>
        %get3A_367 = arith.index_cast %scan3A_356 : i32 to index
        %get3A_368 = arith.constant 32 : index
        %get3A_369 = tpu.vector_load %arg7[%get3A_367, %get3A_368] {strides = array<i32>} : memref<200x64xf32, #tpu.memory_space<vmem>>, vector<1x16xf32>,
        %get3A_370 = vector.shape_cast %get3A_369 : vector<1x16xf32> to vector<16xf32>
        %add3A_371 = arith.addf %add3A_349, %get3A_370 : vector<16xf32>
        %get3A_372 = arith.index_cast %scan3A_356 : i32 to index
        %get3A_373 = arith.constant 48 : index
        %get3A_374 = tpu.vector_load %arg7[%get3A_372, %get3A_373] {strides = array<i32>} : memref<200x64xf32, #tpu.memory_space<vmem>>, vector<1x16xf32>,
        %get3A_375 = vector.shape_cast %get3A_374 : vector<1x16xf32> to vector<16xf32>
        %add3A_376 = arith.addf %add3A_354, %get3A_375 : vector<16xf32>
        %scan3A_377 = arith.constant 6 : i32
        %scan3A_378 = arith.addi %scan3A_243, %scan3A_377 : i32
        %get3A_379 = arith.index_cast %scan3A_378 : i32 to index
        %get3A_380 = arith.constant 0 : index
        %get3A_381 = tpu.vector_load %arg7[%get3A_379, %get3A_380] {strides = array<i32>} : memref<200x64xf32, #tpu.memory_space<vmem>>, vector<1x16xf32>,
        %get3A_382 = vector.shape_cast %get3A_381 : vector<1x16xf32> to vector<16xf32>
        %add3A_383 = arith.addf %add3A_361, %get3A_382 : vector<16xf32>
        %get3A_384 = arith.index_cast %scan3A_378 : i32 to index
        %get3A_385 = arith.constant 16 : index
        %get3A_386 = tpu.vector_load %arg7[%get3A_384, %get3A_385] {strides = array<i32>} : memref<200x64xf32, #tpu.memory_space<vmem>>, vector<1x16xf32>,
        %get3A_387 = vector.shape_cast %get3A_386 : vector<1x16xf32> to vector<16xf32>
        %add3A_388 = arith.addf %add3A_366, %get3A_387 : vector<16xf32>
        %get3A_389 = arith.index_cast %scan3A_378 : i32 to index
        %get3A_390 = arith.constant 32 : index
        %get3A_391 = tpu.vector_load %arg7[%get3A_389, %get3A_390] {strides = array<i32>} : memref<200x64xf32, #tpu.memory_space<vmem>>, vector<1x16xf32>,
        %get3A_392 = vector.shape_cast %get3A_391 : vector<1x16xf32> to vector<16xf32>
        %add3A_393 = arith.addf %add3A_371, %get3A_392 : vector<16xf32>
        %get3A_394 = arith.index_cast %scan3A_378 : i32 to index
        %get3A_395 = arith.constant 48 : index
        %get3A_396 = tpu.vector_load %arg7[%get3A_394, %get3A_395] {strides = array<i32>} : memref<200x64xf32, #tpu.memory_space<vmem>>, vector<1x16xf32>,
        %get3A_397 = vector.shape_cast %get3A_396 : vector<1x16xf32> to vector<16xf32>
        %add3A_398 = arith.addf %add3A_376, %get3A_397 : vector<16xf32>
        %scan3A_399 = arith.constant 7 : i32
        %scan3A_400 = arith.addi %scan3A_243, %scan3A_399 : i32
        %get3A_401 = arith.index_cast %scan3A_400 : i32 to index
        %get3A_402 = arith.constant 0 : index
        %get3A_403 = tpu.vector_load %arg7[%get3A_401, %get3A_402] {strides = array<i32>} : memref<200x64xf32, #tpu.memory_space<vmem>>, vector<1x16xf32>,
        %get3A_404 = vector.shape_cast %get3A_403 : vector<1x16xf32> to vector<16xf32>
        %add3A_405 = arith.addf %add3A_383, %get3A_404 : vector<16xf32>
        %get3A_406 = arith.index_cast %scan3A_400 : i32 to index
        %get3A_407 = arith.constant 16 : index
        %get3A_408 = tpu.vector_load %arg7[%get3A_406, %get3A_407] {strides = array<i32>} : memref<200x64xf32, #tpu.memory_space<vmem>>, vector<1x16xf32>,
        %get3A_409 = vector.shape_cast %get3A_408 : vector<1x16xf32> to vector<16xf32>
        %add3A_410 = arith.addf %add3A_388, %get3A_409 : vector<16xf32>
        %get3A_411 = arith.index_cast %scan3A_400 : i32 to index
        %get3A_412 = arith.constant 32 : index
        %get3A_413 = tpu.vector_load %arg7[%get3A_411, %get3A_412] {strides = array<i32>} : memref<200x64xf32, #tpu.memory_space<vmem>>, vector<1x16xf32>,
        %get3A_414 = vector.shape_cast %get3A_413 : vector<1x16xf32> to vector<16xf32>
        %add3A_415 = arith.addf %add3A_393, %get3A_414 : vector<16xf32>
        %get3A_416 = arith.index_cast %scan3A_400 : i32 to index
        %get3A_417 = arith.constant 48 : index
        %get3A_418 = tpu.vector_load %arg7[%get3A_416, %get3A_417] {strides = array<i32>} : memref<200x64xf32, #tpu.memory_space<vmem>>, vector<1x16xf32>,
        %get3A_419 = vector.shape_cast %get3A_418 : vector<1x16xf32> to vector<16xf32>
        %add3A_420 = arith.addf %add3A_398, %get3A_419 : vector<16xf32>
        %scan3A_421 = arith.constant 8 : i32
        %scan3A_422 = arith.addi %scan3A_243, %scan3A_421 : i32
        %get3A_423 = arith.index_cast %scan3A_422 : i32 to index
        %get3A_424 = arith.constant 0 : index
        %get3A_425 = tpu.vector_load %arg7[%get3A_423, %get3A_424] {strides = array<i32>} : memref<200x64xf32, #tpu.memory_space<vmem>>, vector<1x16xf32>,
        %get3A_426 = vector.shape_cast %get3A_425 : vector<1x16xf32> to vector<16xf32>
        %add3A_427 = arith.addf %add3A_405, %get3A_426 : vector<16xf32>
        %get3A_428 = arith.index_cast %scan3A_422 : i32 to index
        %get3A_429 = arith.constant 16 : index
        %get3A_430 = tpu.vector_load %arg7[%get3A_428, %get3A_429] {strides = array<i32>} : memref<200x64xf32, #tpu.memory_space<vmem>>, vector<1x16xf32>,
        %get3A_431 = vector.shape_cast %get3A_430 : vector<1x16xf32> to vector<16xf32>
        %add3A_432 = arith.addf %add3A_410, %get3A_431 : vector<16xf32>
        %get3A_433 = arith.index_cast %scan3A_422 : i32 to index
        %get3A_434 = arith.constant 32 : index
        %get3A_435 = tpu.vector_load %arg7[%get3A_433, %get3A_434] {strides = array<i32>} : memref<200x64xf32, #tpu.memory_space<vmem>>, vector<1x16xf32>,
        %get3A_436 = vector.shape_cast %get3A_435 : vector<1x16xf32> to vector<16xf32>
        %add3A_437 = arith.addf %add3A_415, %get3A_436 : vector<16xf32>
        %get3A_438 = arith.index_cast %scan3A_422 : i32 to index
        %get3A_439 = arith.constant 48 : index
        %get3A_440 = tpu.vector_load %arg7[%get3A_438, %get3A_439] {strides = array<i32>} : memref<200x64xf32, #tpu.memory_space<vmem>>, vector<1x16xf32>,
        %get3A_441 = vector.shape_cast %get3A_440 : vector<1x16xf32> to vector<16xf32>
        %add3A_442 = arith.addf %add3A_420, %get3A_441 : vector<16xf32>
        %scan3A_443 = arith.constant 9 : i32
        %scan3A_444 = arith.addi %scan3A_243, %scan3A_443 : i32
        %get3A_445 = arith.index_cast %scan3A_444 : i32 to index
        %get3A_446 = arith.constant 0 : index
        %get3A_447 = tpu.vector_load %arg7[%get3A_445, %get3A_446] {strides = array<i32>} : memref<200x64xf32, #tpu.memory_space<vmem>>, vector<1x16xf32>,
        %get3A_448 = vector.shape_cast %get3A_447 : vector<1x16xf32> to vector<16xf32>
        %add3A_449 = arith.addf %add3A_427, %get3A_448 : vector<16xf32>
        %get3A_450 = arith.index_cast %scan3A_444 : i32 to index
        %get3A_451 = arith.constant 16 : index
        %get3A_452 = tpu.vector_load %arg7[%get3A_450, %get3A_451] {strides = array<i32>} : memref<200x64xf32, #tpu.memory_space<vmem>>, vector<1x16xf32>,
        %get3A_453 = vector.shape_cast %get3A_452 : vector<1x16xf32> to vector<16xf32>
        %add3A_454 = arith.addf %add3A_432, %get3A_453 : vector<16xf32>
        %get3A_455 = arith.index_cast %scan3A_444 : i32 to index
        %get3A_456 = arith.constant 32 : index
        %get3A_457 = tpu.vector_load %arg7[%get3A_455, %get3A_456] {strides = array<i32>} : memref<200x64xf32, #tpu.memory_space<vmem>>, vector<1x16xf32>,
        %get3A_458 = vector.shape_cast %get3A_457 : vector<1x16xf32> to vector<16xf32>
        %add3A_459 = arith.addf %add3A_437, %get3A_458 : vector<16xf32>
        %get3A_460 = arith.index_cast %scan3A_444 : i32 to index
        %get3A_461 = arith.constant 48 : index
        %get3A_462 = tpu.vector_load %arg7[%get3A_460, %get3A_461] {strides = array<i32>} : memref<200x64xf32, #tpu.memory_space<vmem>>, vector<1x16xf32>,
        %get3A_463 = vector.shape_cast %get3A_462 : vector<1x16xf32> to vector<16xf32>
        %add3A_464 = arith.addf %add3A_442, %get3A_463 : vector<16xf32>
        %scan3A_465 = arith.constant 10 : i32
        %scan3A_466 = arith.addi %scan3A_243, %scan3A_465 : i32
        %get3A_467 = arith.index_cast %scan3A_466 : i32 to index
        %get3A_468 = arith.constant 0 : index
        %get3A_469 = tpu.vector_load %arg7[%get3A_467, %get3A_468] {strides = array<i32>} : memref<200x64xf32, #tpu.memory_space<vmem>>, vector<1x16xf32>,
        %get3A_470 = vector.shape_cast %get3A_469 : vector<1x16xf32> to vector<16xf32>
        %add3A_471 = arith.addf %add3A_449, %get3A_470 : vector<16xf32>
        %get3A_472 = arith.index_cast %scan3A_466 : i32 to index
        %get3A_473 = arith.constant 16 : index
        %get3A_474 = tpu.vector_load %arg7[%get3A_472, %get3A_473] {strides = array<i32>} : memref<200x64xf32, #tpu.memory_space<vmem>>, vector<1x16xf32>,
        %get3A_475 = vector.shape_cast %get3A_474 : vector<1x16xf32> to vector<16xf32>
        %add3A_476 = arith.addf %add3A_454, %get3A_475 : vector<16xf32>
        %get3A_477 = arith.index_cast %scan3A_466 : i32 to index
        %get3A_478 = arith.constant 32 : index
        %get3A_479 = tpu.vector_load %arg7[%get3A_477, %get3A_478] {strides = array<i32>} : memref<200x64xf32, #tpu.memory_space<vmem>>, vector<1x16xf32>,
        %get3A_480 = vector.shape_cast %get3A_479 : vector<1x16xf32> to vector<16xf32>
        %add3A_481 = arith.addf %add3A_459, %get3A_480 : vector<16xf32>
        %get3A_482 = arith.index_cast %scan3A_466 : i32 to index
        %get3A_483 = arith.constant 48 : index
        %get3A_484 = tpu.vector_load %arg7[%get3A_482, %get3A_483] {strides = array<i32>} : memref<200x64xf32, #tpu.memory_space<vmem>>, vector<1x16xf32>,
        %get3A_485 = vector.shape_cast %get3A_484 : vector<1x16xf32> to vector<16xf32>
        %add3A_486 = arith.addf %add3A_464, %get3A_485 : vector<16xf32>
        %scan3A_487 = arith.constant 11 : i32
        %scan3A_488 = arith.addi %scan3A_243, %scan3A_487 : i32
        %get3A_489 = arith.index_cast %scan3A_488 : i32 to index
        %get3A_490 = arith.constant 0 : index
        %get3A_491 = tpu.vector_load %arg7[%get3A_489, %get3A_490] {strides = array<i32>} : memref<200x64xf32, #tpu.memory_space<vmem>>, vector<1x16xf32>,
        %get3A_492 = vector.shape_cast %get3A_491 : vector<1x16xf32> to vector<16xf32>
        %add3A_493 = arith.addf %add3A_471, %get3A_492 : vector<16xf32>
        %get3A_494 = arith.index_cast %scan3A_488 : i32 to index
        %get3A_495 = arith.constant 16 : index
        %get3A_496 = tpu.vector_load %arg7[%get3A_494, %get3A_495] {strides = array<i32>} : memref<200x64xf32, #tpu.memory_space<vmem>>, vector<1x16xf32>,
        %get3A_497 = vector.shape_cast %get3A_496 : vector<1x16xf32> to vector<16xf32>
        %add3A_498 = arith.addf %add3A_476, %get3A_497 : vector<16xf32>
        %get3A_499 = arith.index_cast %scan3A_488 : i32 to index
        %get3A_500 = arith.constant 32 : index
        %get3A_501 = tpu.vector_load %arg7[%get3A_499, %get3A_500] {strides = array<i32>} : memref<200x64xf32, #tpu.memory_space<vmem>>, vector<1x16xf32>,
        %get3A_502 = vector.shape_cast %get3A_501 : vector<1x16xf32> to vector<16xf32>
        %add3A_503 = arith.addf %add3A_481, %get3A_502 : vector<16xf32>
        %get3A_504 = arith.index_cast %scan3A_488 : i32 to index
        %get3A_505 = arith.constant 48 : index
        %get3A_506 = tpu.vector_load %arg7[%get3A_504, %get3A_505] {strides = array<i32>} : memref<200x64xf32, #tpu.memory_space<vmem>>, vector<1x16xf32>,
        %get3A_507 = vector.shape_cast %get3A_506 : vector<1x16xf32> to vector<16xf32>
        %add3A_508 = arith.addf %add3A_486, %get3A_507 : vector<16xf32>
        %scan3A_509 = arith.constant 12 : i32
        %scan3A_510 = arith.addi %scan3A_243, %scan3A_509 : i32
        %get3A_511 = arith.index_cast %scan3A_510 : i32 to index
        %get3A_512 = arith.constant 0 : index
        %get3A_513 = tpu.vector_load %arg7[%get3A_511, %get3A_512] {strides = array<i32>} : memref<200x64xf32, #tpu.memory_space<vmem>>, vector<1x16xf32>,
        %get3A_514 = vector.shape_cast %get3A_513 : vector<1x16xf32> to vector<16xf32>
        %add3A_515 = arith.addf %add3A_493, %get3A_514 : vector<16xf32>
        %get3A_516 = arith.index_cast %scan3A_510 : i32 to index
        %get3A_517 = arith.constant 16 : index
        %get3A_518 = tpu.vector_load %arg7[%get3A_516, %get3A_517] {strides = array<i32>} : memref<200x64xf32, #tpu.memory_space<vmem>>, vector<1x16xf32>,
        %get3A_519 = vector.shape_cast %get3A_518 : vector<1x16xf32> to vector<16xf32>
        %add3A_520 = arith.addf %add3A_498, %get3A_519 : vector<16xf32>
        %get3A_521 = arith.index_cast %scan3A_510 : i32 to index
        %get3A_522 = arith.constant 32 : index
        %get3A_523 = tpu.vector_load %arg7[%get3A_521, %get3A_522] {strides = array<i32>} : memref<200x64xf32, #tpu.memory_space<vmem>>, vector<1x16xf32>,
        %get3A_524 = vector.shape_cast %get3A_523 : vector<1x16xf32> to vector<16xf32>
        %add3A_525 = arith.addf %add3A_503, %get3A_524 : vector<16xf32>
        %get3A_526 = arith.index_cast %scan3A_510 : i32 to index
        %get3A_527 = arith.constant 48 : index
        %get3A_528 = tpu.vector_load %arg7[%get3A_526, %get3A_527] {strides = array<i32>} : memref<200x64xf32, #tpu.memory_space<vmem>>, vector<1x16xf32>,
        %get3A_529 = vector.shape_cast %get3A_528 : vector<1x16xf32> to vector<16xf32>
        %add3A_530 = arith.addf %add3A_508, %get3A_529 : vector<16xf32>
        %scan3A_531 = arith.constant 13 : i32
        %scan3A_532 = arith.addi %scan3A_243, %scan3A_531 : i32
        %get3A_533 = arith.index_cast %scan3A_532 : i32 to index
        %get3A_534 = arith.constant 0 : index
        %get3A_535 = tpu.vector_load %arg7[%get3A_533, %get3A_534] {strides = array<i32>} : memref<200x64xf32, #tpu.memory_space<vmem>>, vector<1x16xf32>,
        %get3A_536 = vector.shape_cast %get3A_535 : vector<1x16xf32> to vector<16xf32>
        %add3A_537 = arith.addf %add3A_515, %get3A_536 : vector<16xf32>
        %get3A_538 = arith.index_cast %scan3A_532 : i32 to index
        %get3A_539 = arith.constant 16 : index
        %get3A_540 = tpu.vector_load %arg7[%get3A_538, %get3A_539] {strides = array<i32>} : memref<200x64xf32, #tpu.memory_space<vmem>>, vector<1x16xf32>,
        %get3A_541 = vector.shape_cast %get3A_540 : vector<1x16xf32> to vector<16xf32>
        %add3A_542 = arith.addf %add3A_520, %get3A_541 : vector<16xf32>
        %get3A_543 = arith.index_cast %scan3A_532 : i32 to index
        %get3A_544 = arith.constant 32 : index
        %get3A_545 = tpu.vector_load %arg7[%get3A_543, %get3A_544] {strides = array<i32>} : memref<200x64xf32, #tpu.memory_space<vmem>>, vector<1x16xf32>,
        %get3A_546 = vector.shape_cast %get3A_545 : vector<1x16xf32> to vector<16xf32>
        %add3A_547 = arith.addf %add3A_525, %get3A_546 : vector<16xf32>
        %get3A_548 = arith.index_cast %scan3A_532 : i32 to index
        %get3A_549 = arith.constant 48 : index
        %get3A_550 = tpu.vector_load %arg7[%get3A_548, %get3A_549] {strides = array<i32>} : memref<200x64xf32, #tpu.memory_space<vmem>>, vector<1x16xf32>,
        %get3A_551 = vector.shape_cast %get3A_550 : vector<1x16xf32> to vector<16xf32>
        %add3A_552 = arith.addf %add3A_530, %get3A_551 : vector<16xf32>
        %scan3A_553 = arith.constant 14 : i32
        %scan3A_554 = arith.addi %scan3A_243, %scan3A_553 : i32
        %get3A_555 = arith.index_cast %scan3A_554 : i32 to index
        %get3A_556 = arith.constant 0 : index
        %get3A_557 = tpu.vector_load %arg7[%get3A_555, %get3A_556] {strides = array<i32>} : memref<200x64xf32, #tpu.memory_space<vmem>>, vector<1x16xf32>,
        %get3A_558 = vector.shape_cast %get3A_557 : vector<1x16xf32> to vector<16xf32>
        %add3A_559 = arith.addf %add3A_537, %get3A_558 : vector<16xf32>
        %get3A_560 = arith.index_cast %scan3A_554 : i32 to index
        %get3A_561 = arith.constant 16 : index
        %get3A_562 = tpu.vector_load %arg7[%get3A_560, %get3A_561] {strides = array<i32>} : memref<200x64xf32, #tpu.memory_space<vmem>>, vector<1x16xf32>,
        %get3A_563 = vector.shape_cast %get3A_562 : vector<1x16xf32> to vector<16xf32>
        %add3A_564 = arith.addf %add3A_542, %get3A_563 : vector<16xf32>
        %get3A_565 = arith.index_cast %scan3A_554 : i32 to index
        %get3A_566 = arith.constant 32 : index
        %get3A_567 = tpu.vector_load %arg7[%get3A_565, %get3A_566] {strides = array<i32>} : memref<200x64xf32, #tpu.memory_space<vmem>>, vector<1x16xf32>,
        %get3A_568 = vector.shape_cast %get3A_567 : vector<1x16xf32> to vector<16xf32>
        %add3A_569 = arith.addf %add3A_547, %get3A_568 : vector<16xf32>
        %get3A_570 = arith.index_cast %scan3A_554 : i32 to index
        %get3A_571 = arith.constant 48 : index
        %get3A_572 = tpu.vector_load %arg7[%get3A_570, %get3A_571] {strides = array<i32>} : memref<200x64xf32, #tpu.memory_space<vmem>>, vector<1x16xf32>,
        %get3A_573 = vector.shape_cast %get3A_572 : vector<1x16xf32> to vector<16xf32>
        %add3A_574 = arith.addf %add3A_552, %get3A_573 : vector<16xf32>
        %scan3A_575 = arith.constant 15 : i32
        %scan3A_576 = arith.addi %scan3A_243, %scan3A_575 : i32
        %get3A_577 = arith.index_cast %scan3A_576 : i32 to index
        %get3A_578 = arith.constant 0 : index
        %get3A_579 = tpu.vector_load %arg7[%get3A_577, %get3A_578] {strides = array<i32>} : memref<200x64xf32, #tpu.memory_space<vmem>>, vector<1x16xf32>,
        %get3A_580 = vector.shape_cast %get3A_579 : vector<1x16xf32> to vector<16xf32>
        %add3A_581 = arith.addf %add3A_559, %get3A_580 : vector<16xf32>
        %get3A_582 = arith.index_cast %scan3A_576 : i32 to index
        %get3A_583 = arith.constant 16 : index
        %get3A_584 = tpu.vector_load %arg7[%get3A_582, %get3A_583] {strides = array<i32>} : memref<200x64xf32, #tpu.memory_space<vmem>>, vector<1x16xf32>,
        %get3A_585 = vector.shape_cast %get3A_584 : vector<1x16xf32> to vector<16xf32>
        %add3A_586 = arith.addf %add3A_564, %get3A_585 : vector<16xf32>
        %get3A_587 = arith.index_cast %scan3A_576 : i32 to index
        %get3A_588 = arith.constant 32 : index
        %get3A_589 = tpu.vector_load %arg7[%get3A_587, %get3A_588] {strides = array<i32>} : memref<200x64xf32, #tpu.memory_space<vmem>>, vector<1x16xf32>,
        %get3A_590 = vector.shape_cast %get3A_589 : vector<1x16xf32> to vector<16xf32>
        %add3A_591 = arith.addf %add3A_569, %get3A_590 : vector<16xf32>
        %get3A_592 = arith.index_cast %scan3A_576 : i32 to index
        %get3A_593 = arith.constant 48 : index
        %get3A_594 = tpu.vector_load %arg7[%get3A_592, %get3A_593] {strides = array<i32>} : memref<200x64xf32, #tpu.memory_space<vmem>>, vector<1x16xf32>,
        %get3A_595 = vector.shape_cast %get3A_594 : vector<1x16xf32> to vector<16xf32>
        %add3A_596 = arith.addf %add3A_574, %get3A_595 : vector<16xf32>
        %scan3A_597 = arith.constant 16 : i32
        %scan3A_598 = arith.addi %scan3A_243, %scan3A_597 : i32
        %get3A_599 = arith.index_cast %scan3A_598 : i32 to index
        %get3A_600 = arith.constant 0 : index
        %get3A_601 = tpu.vector_load %arg7[%get3A_599, %get3A_600] {strides = array<i32>} : memref<200x64xf32, #tpu.memory_space<vmem>>, vector<1x16xf32>,
        %get3A_602 = vector.shape_cast %get3A_601 : vector<1x16xf32> to vector<16xf32>
        %add3A_603 = arith.addf %add3A_581, %get3A_602 : vector<16xf32>
        %get3A_604 = arith.index_cast %scan3A_598 : i32 to index
        %get3A_605 = arith.constant 16 : index
        %get3A_606 = tpu.vector_load %arg7[%get3A_604, %get3A_605] {strides = array<i32>} : memref<200x64xf32, #tpu.memory_space<vmem>>, vector<1x16xf32>,
        %get3A_607 = vector.shape_cast %get3A_606 : vector<1x16xf32> to vector<16xf32>
        %add3A_608 = arith.addf %add3A_586, %get3A_607 : vector<16xf32>
        %get3A_609 = arith.index_cast %scan3A_598 : i32 to index
        %get3A_610 = arith.constant 32 : index
        %get3A_611 = tpu.vector_load %arg7[%get3A_609, %get3A_610] {strides = array<i32>} : memref<200x64xf32, #tpu.memory_space<vmem>>, vector<1x16xf32>,
        %get3A_612 = vector.shape_cast %get3A_611 : vector<1x16xf32> to vector<16xf32>
        %add3A_613 = arith.addf %add3A_591, %get3A_612 : vector<16xf32>
        %get3A_614 = arith.index_cast %scan3A_598 : i32 to index
        %get3A_615 = arith.constant 48 : index
        %get3A_616 = tpu.vector_load %arg7[%get3A_614, %get3A_615] {strides = array<i32>} : memref<200x64xf32, #tpu.memory_space<vmem>>, vector<1x16xf32>,
        %get3A_617 = vector.shape_cast %get3A_616 : vector<1x16xf32> to vector<16xf32>
        %add3A_618 = arith.addf %add3A_596, %get3A_617 : vector<16xf32>
        %scan3A_619 = arith.constant 17 : i32
        %scan3A_620 = arith.addi %scan3A_243, %scan3A_619 : i32
        %get3A_621 = arith.index_cast %scan3A_620 : i32 to index
        %get3A_622 = arith.constant 0 : index
        %get3A_623 = tpu.vector_load %arg7[%get3A_621, %get3A_622] {strides = array<i32>} : memref<200x64xf32, #tpu.memory_space<vmem>>, vector<1x16xf32>,
        %get3A_624 = vector.shape_cast %get3A_623 : vector<1x16xf32> to vector<16xf32>
        %add3A_625 = arith.addf %add3A_603, %get3A_624 : vector<16xf32>
        %get3A_626 = arith.index_cast %scan3A_620 : i32 to index
        %get3A_627 = arith.constant 16 : index
        %get3A_628 = tpu.vector_load %arg7[%get3A_626, %get3A_627] {strides = array<i32>} : memref<200x64xf32, #tpu.memory_space<vmem>>, vector<1x16xf32>,
        %get3A_629 = vector.shape_cast %get3A_628 : vector<1x16xf32> to vector<16xf32>
        %add3A_630 = arith.addf %add3A_608, %get3A_629 : vector<16xf32>
        %get3A_631 = arith.index_cast %scan3A_620 : i32 to index
        %get3A_632 = arith.constant 32 : index
        %get3A_633 = tpu.vector_load %arg7[%get3A_631, %get3A_632] {strides = array<i32>} : memref<200x64xf32, #tpu.memory_space<vmem>>, vector<1x16xf32>,
        %get3A_634 = vector.shape_cast %get3A_633 : vector<1x16xf32> to vector<16xf32>
        %add3A_635 = arith.addf %add3A_613, %get3A_634 : vector<16xf32>
        %get3A_636 = arith.index_cast %scan3A_620 : i32 to index
        %get3A_637 = arith.constant 48 : index
        %get3A_638 = tpu.vector_load %arg7[%get3A_636, %get3A_637] {strides = array<i32>} : memref<200x64xf32, #tpu.memory_space<vmem>>, vector<1x16xf32>,
        %get3A_639 = vector.shape_cast %get3A_638 : vector<1x16xf32> to vector<16xf32>
        %add3A_640 = arith.addf %add3A_618, %get3A_639 : vector<16xf32>
        %scan3A_641 = arith.constant 18 : i32
        %scan3A_642 = arith.addi %scan3A_243, %scan3A_641 : i32
        %get3A_643 = arith.index_cast %scan3A_642 : i32 to index
        %get3A_644 = arith.constant 0 : index
        %get3A_645 = tpu.vector_load %arg7[%get3A_643, %get3A_644] {strides = array<i32>} : memref<200x64xf32, #tpu.memory_space<vmem>>, vector<1x16xf32>,
        %get3A_646 = vector.shape_cast %get3A_645 : vector<1x16xf32> to vector<16xf32>
        %add3A_647 = arith.addf %add3A_625, %get3A_646 : vector<16xf32>
        %get3A_648 = arith.index_cast %scan3A_642 : i32 to index
        %get3A_649 = arith.constant 16 : index
        %get3A_650 = tpu.vector_load %arg7[%get3A_648, %get3A_649] {strides = array<i32>} : memref<200x64xf32, #tpu.memory_space<vmem>>, vector<1x16xf32>,
        %get3A_651 = vector.shape_cast %get3A_650 : vector<1x16xf32> to vector<16xf32>
        %add3A_652 = arith.addf %add3A_630, %get3A_651 : vector<16xf32>
        %get3A_653 = arith.index_cast %scan3A_642 : i32 to index
        %get3A_654 = arith.constant 32 : index
        %get3A_655 = tpu.vector_load %arg7[%get3A_653, %get3A_654] {strides = array<i32>} : memref<200x64xf32, #tpu.memory_space<vmem>>, vector<1x16xf32>,
        %get3A_656 = vector.shape_cast %get3A_655 : vector<1x16xf32> to vector<16xf32>
        %add3A_657 = arith.addf %add3A_635, %get3A_656 : vector<16xf32>
        %get3A_658 = arith.index_cast %scan3A_642 : i32 to index
        %get3A_659 = arith.constant 48 : index
        %get3A_660 = tpu.vector_load %arg7[%get3A_658, %get3A_659] {strides = array<i32>} : memref<200x64xf32, #tpu.memory_space<vmem>>, vector<1x16xf32>,
        %get3A_661 = vector.shape_cast %get3A_660 : vector<1x16xf32> to vector<16xf32>
        %add3A_662 = arith.addf %add3A_640, %get3A_661 : vector<16xf32>
        %scan3A_663 = arith.constant 19 : i32
        %scan3A_664 = arith.addi %scan3A_243, %scan3A_663 : i32
        %get3A_665 = arith.index_cast %scan3A_664 : i32 to index
        %get3A_666 = arith.constant 0 : index
        %get3A_667 = tpu.vector_load %arg7[%get3A_665, %get3A_666] {strides = array<i32>} : memref<200x64xf32, #tpu.memory_space<vmem>>, vector<1x16xf32>,
        %get3A_668 = vector.shape_cast %get3A_667 : vector<1x16xf32> to vector<16xf32>
        %add3A_669 = arith.addf %add3A_647, %get3A_668 : vector<16xf32>
        %get3A_670 = arith.index_cast %scan3A_664 : i32 to index
        %get3A_671 = arith.constant 16 : index
        %get3A_672 = tpu.vector_load %arg7[%get3A_670, %get3A_671] {strides = array<i32>} : memref<200x64xf32, #tpu.memory_space<vmem>>, vector<1x16xf32>,
        %get3A_673 = vector.shape_cast %get3A_672 : vector<1x16xf32> to vector<16xf32>
        %add3A_674 = arith.addf %add3A_652, %get3A_673 : vector<16xf32>
        %get3A_675 = arith.index_cast %scan3A_664 : i32 to index
        %get3A_676 = arith.constant 32 : index
        %get3A_677 = tpu.vector_load %arg7[%get3A_675, %get3A_676] {strides = array<i32>} : memref<200x64xf32, #tpu.memory_space<vmem>>, vector<1x16xf32>,
        %get3A_678 = vector.shape_cast %get3A_677 : vector<1x16xf32> to vector<16xf32>
        %add3A_679 = arith.addf %add3A_657, %get3A_678 : vector<16xf32>
        %get3A_680 = arith.index_cast %scan3A_664 : i32 to index
        %get3A_681 = arith.constant 48 : index
        %get3A_682 = tpu.vector_load %arg7[%get3A_680, %get3A_681] {strides = array<i32>} : memref<200x64xf32, #tpu.memory_space<vmem>>, vector<1x16xf32>,
        %get3A_683 = vector.shape_cast %get3A_682 : vector<1x16xf32> to vector<16xf32>
        %add3A_684 = arith.addf %add3A_662, %get3A_683 : vector<16xf32>
        scf.yield %add3A_669, %add3A_674, %add3A_679, %add3A_684 : vector<16xf32>, vector<16xf32>, vector<16xf32>, vector<16xf32>
      }
      %scan3A_196 = arith.constant 200 : i32
      %swap3A_197 = arith.index_cast %add3A_190 : i32 to index
      %swap3A_198 = arith.constant 0 : index
      %swap3A_199 = tpu.vector_load %arg8[%swap3A_197, %swap3A_198] {strides = array<i32>} : memref<128x64xf32, #tpu.memory_space<vmem>>, vector<1x16xf32>,
      %swap3A_200 = vector.shape_cast %swap3A_199 : vector<1x16xf32> to vector<16xf32>
      %swap3A_201 = vector.shape_cast %scan3A_195#0 : vector<16xf32> to vector<1x16xf32>
      tpu.vector_store %arg8[%swap3A_197, %swap3A_198], %swap3A_201 {strides = array<i32>} : memref<128x64xf32, #tpu.memory_space<vmem>>, vector<1x16xf32>,
      %swap3A_202 = arith.index_cast %add3A_190 : i32 to index
      %swap3A_203 = arith.constant 16 : index
      %swap3A_204 = tpu.vector_load %arg8[%swap3A_202, %swap3A_203] {strides = array<i32>} : memref<128x64xf32, #tpu.memory_space<vmem>>, vector<1x16xf32>,
      %swap3A_205 = vector.shape_cast %swap3A_204 : vector<1x16xf32> to vector<16xf32>
      %swap3A_206 = vector.shape_cast %scan3A_195#1 : vector<16xf32> to vector<1x16xf32>
      tpu.vector_store %arg8[%swap3A_202, %swap3A_203], %swap3A_206 {strides = array<i32>} : memref<128x64xf32, #tpu.memory_space<vmem>>, vector<1x16xf32>,
      %swap3A_207 = arith.index_cast %add3A_190 : i32 to index
      %swap3A_208 = arith.constant 32 : index
      %swap3A_209 = tpu.vector_load %arg8[%swap3A_207, %swap3A_208] {strides = array<i32>} : memref<128x64xf32, #tpu.memory_space<vmem>>, vector<1x16xf32>,
      %swap3A_210 = vector.shape_cast %swap3A_209 : vector<1x16xf32> to vector<16xf32>
      %swap3A_211 = vector.shape_cast %scan3A_195#2 : vector<16xf32> to vector<1x16xf32>
      tpu.vector_store %arg8[%swap3A_207, %swap3A_208], %swap3A_211 {strides = array<i32>} : memref<128x64xf32, #tpu.memory_space<vmem>>, vector<1x16xf32>,
      %swap3A_212 = arith.index_cast %add3A_190 : i32 to index
      %swap3A_213 = arith.constant 48 : index
      %swap3A_214 = tpu.vector_load %arg8[%swap3A_212, %swap3A_213] {strides = array<i32>} : memref<128x64xf32, #tpu.memory_space<vmem>>, vector<1x16xf32>,
      %swap3A_215 = vector.shape_cast %swap3A_214 : vector<1x16xf32> to vector<16xf32>
      %swap3A_216 = vector.shape_cast %scan3A_195#3 : vector<16xf32> to vector<1x16xf32>
      tpu.vector_store %arg8[%swap3A_212, %swap3A_213], %swap3A_216 {strides = array<i32>} : memref<128x64xf32, #tpu.memory_space<vmem>>, vector<1x16xf32>,
      %add3A_217 = arith.constant 3 : i32
      %add3A_218 = arith.addi %add3A_97, %add3A_217 : i32
      %mul3A_219 = arith.constant 2 : i32
      %mul3A_220 = arith.muli %mul3A_219, %add3A_218 : i32
      %min3A_221 = arith.constant 254 : i32
      %min3A_222 = arith.minsi %mul3A_220, %min3A_221 : i32
      %dma_start3A_223 = arith.constant 0 : i32
      %dma_start3A_224 = arith.constant 0 : i32
      %dma_start3A_225 = tpu.memref_slice %arg7[%dma_start3A_223, %dma_start3A_224] : memref<200x64xf32, #tpu.memory_space<vmem>> -> memref<100x64xf32, #tpu.memory_space<vmem>>
      %dma_start3A_226 = arith.constant 0 : i32
      %dma_start3A_227 = tpu.memref_slice %arg5[%min3A_222, %dma_start3A_226] : memref<256x100xi32, #tpu.memory_space<vmem>> -> memref<1x100xi32, #tpu.memory_space<vmem>>
      %dma_start3A_228 = tpu.memref_squeeze %dma_start3A_227 : memref<1x100xi32, #tpu.memory_space<vmem>> -> memref<100xi32, #tpu.memory_space<vmem>>
      %dma_start3A_229 = arith.constant 0 : i32
      %dma_start3A_230 = arith.constant 0 : i32
      %dma_start3A_231 = tpu.memref_slice %arg2[%dma_start3A_229, %dma_start3A_230] : memref<2000000x64xf32, #tpu.memory_space<hbm>> -> memref<2000000x64xf32, #tpu.memory_space<hbm>>
      tpu.enqueue_indirect_dma source(%dma_start3A_231 : memref<2000000x64xf32, #tpu.memory_space<hbm>>) target(%dma_start3A_225 : memref<100x64xf32, #tpu.memory_space<vmem>>) offsets(%dma_start3A_228 : memref<100xi32, #tpu.memory_space<vmem>>) semaphore(%arg10 : memref<!tpu.dma_semaphore, #tpu.memory_space<semaphore_mem>>)
      %add3A_232 = arith.constant 1 : i32
      %add3A_233 = arith.addi %min3A_222, %add3A_232 : i32
      %dma_start3A_234 = arith.constant 100 : i32
      %dma_start3A_235 = arith.constant 0 : i32
      %dma_start3A_236 = tpu.memref_slice %arg7[%dma_start3A_234, %dma_start3A_235] : memref<200x64xf32, #tpu.memory_space<vmem>> -> memref<100x64xf32, #tpu.memory_space<vmem>>
      %dma_start3A_237 = arith.constant 0 : i32
      %dma_start3A_238 = tpu.memref_slice %arg5[%add3A_233, %dma_start3A_237] : memref<256x100xi32, #tpu.memory_space<vmem>> -> memref<1x100xi32, #tpu.memory_space<vmem>>
      %dma_start3A_239 = tpu.memref_squeeze %dma_start3A_238 : memref<1x100xi32, #tpu.memory_space<vmem>> -> memref<100xi32, #tpu.memory_space<vmem>>
      %dma_start3A_240 = arith.constant 0 : i32
      %dma_start3A_241 = arith.constant 0 : i32
      %dma_start3A_242 = tpu.memref_slice %arg2[%dma_start3A_240, %dma_start3A_241] : memref<2000000x64xf32, #tpu.memory_space<hbm>> -> memref<2000000x64xf32, #tpu.memory_space<hbm>>
      tpu.enqueue_indirect_dma source(%dma_start3A_242 : memref<2000000x64xf32, #tpu.memory_space<hbm>>) target(%dma_start3A_236 : memref<100x64xf32, #tpu.memory_space<vmem>>) offsets(%dma_start3A_239 : memref<100xi32, #tpu.memory_space<vmem>>) semaphore(%arg10 : memref<!tpu.dma_semaphore, #tpu.memory_space<semaphore_mem>>)
    }
    %scan3A_51 = arith.constant 64 : i32
    %dma_wait3A = arith.constant 0 : i32
    %dma_wait3A_52 = arith.constant 0 : i32
    %dma_wait3A_53 = arith.constant 0 : i32
    %dma_wait3A_54 = tpu.memref_slice %arg6[%dma_wait3A_52, %dma_wait3A_53] : memref<200x64xf32, #tpu.memory_space<vmem>> -> memref<100x64xf32, #tpu.memory_space<vmem>>
    %dma_wait3A_55 = arith.constant 0 : i32
    %dma_wait3A_56 = tpu.memref_slice %arg5[%dma_wait3A, %dma_wait3A_55] : memref<256x100xi32, #tpu.memory_space<vmem>> -> memref<1x100xi32, #tpu.memory_space<vmem>>
    %dma_wait3A_57 = tpu.memref_squeeze %dma_wait3A_56 : memref<1x100xi32, #tpu.memory_space<vmem>> -> memref<100xi32, #tpu.memory_space<vmem>>
    %dma_wait3A_58 = arith.constant 0 : i32
    %dma_wait3A_59 = arith.constant 0 : i32
    %dma_wait3A_60 = tpu.memref_slice %arg2[%dma_wait3A_58, %dma_wait3A_59] : memref<2000000x64xf32, #tpu.memory_space<hbm>> -> memref<2000000x64xf32, #tpu.memory_space<hbm>>
    tpu.wait_indirect_dma semaphore(%arg9 : memref<!tpu.dma_semaphore, #tpu.memory_space<semaphore_mem>>) src(%dma_wait3A_60 : memref<2000000x64xf32, #tpu.memory_space<hbm>>) dst(%dma_wait3A_54 : memref<100x64xf32, #tpu.memory_space<vmem>>)
    %dma_wait3A_61 = arith.constant 0 : i32
    %dma_wait3A_62 = arith.constant 100 : i32
    %dma_wait3A_63 = arith.constant 0 : i32
    %dma_wait3A_64 = tpu.memref_slice %arg6[%dma_wait3A_62, %dma_wait3A_63] : memref<200x64xf32, #tpu.memory_space<vmem>> -> memref<100x64xf32, #tpu.memory_space<vmem>>
    %dma_wait3A_65 = arith.constant 0 : i32
    %dma_wait3A_66 = tpu.memref_slice %arg5[%dma_wait3A_61, %dma_wait3A_65] : memref<256x100xi32, #tpu.memory_space<vmem>> -> memref<1x100xi32, #tpu.memory_space<vmem>>
    %dma_wait3A_67 = tpu.memref_squeeze %dma_wait3A_66 : memref<1x100xi32, #tpu.memory_space<vmem>> -> memref<100xi32, #tpu.memory_space<vmem>>
    %dma_wait3A_68 = arith.constant 0 : i32
    %dma_wait3A_69 = arith.constant 0 : i32
    %dma_wait3A_70 = tpu.memref_slice %arg2[%dma_wait3A_68, %dma_wait3A_69] : memref<2000000x64xf32, #tpu.memory_space<hbm>> -> memref<2000000x64xf32, #tpu.memory_space<hbm>>
    tpu.wait_indirect_dma semaphore(%arg9 : memref<!tpu.dma_semaphore, #tpu.memory_space<semaphore_mem>>) src(%dma_wait3A_70 : memref<2000000x64xf32, #tpu.memory_space<hbm>>) dst(%dma_wait3A_64 : memref<100x64xf32, #tpu.memory_space<vmem>>)
    %dma_wait3A_71 = arith.constant 0 : i32
    %dma_wait3A_72 = arith.constant 0 : i32
    %dma_wait3A_73 = arith.constant 0 : i32
    %dma_wait3A_74 = tpu.memref_slice %arg7[%dma_wait3A_72, %dma_wait3A_73] : memref<200x64xf32, #tpu.memory_space<vmem>> -> memref<100x64xf32, #tpu.memory_space<vmem>>
    %dma_wait3A_75 = arith.constant 0 : i32
    %dma_wait3A_76 = tpu.memref_slice %arg5[%dma_wait3A_71, %dma_wait3A_75] : memref<256x100xi32, #tpu.memory_space<vmem>> -> memref<1x100xi32, #tpu.memory_space<vmem>>
    %dma_wait3A_77 = tpu.memref_squeeze %dma_wait3A_76 : memref<1x100xi32, #tpu.memory_space<vmem>> -> memref<100xi32, #tpu.memory_space<vmem>>
    %dma_wait3A_78 = arith.constant 0 : i32
    %dma_wait3A_79 = arith.constant 0 : i32
    %dma_wait3A_80 = tpu.memref_slice %arg2[%dma_wait3A_78, %dma_wait3A_79] : memref<2000000x64xf32, #tpu.memory_space<hbm>> -> memref<2000000x64xf32, #tpu.memory_space<hbm>>
    tpu.wait_indirect_dma semaphore(%arg10 : memref<!tpu.dma_semaphore, #tpu.memory_space<semaphore_mem>>) src(%dma_wait3A_80 : memref<2000000x64xf32, #tpu.memory_space<hbm>>) dst(%dma_wait3A_74 : memref<100x64xf32, #tpu.memory_space<vmem>>)
    %dma_wait3A_81 = arith.constant 0 : i32
    %dma_wait3A_82 = arith.constant 100 : i32
    %dma_wait3A_83 = arith.constant 0 : i32
    %dma_wait3A_84 = tpu.memref_slice %arg7[%dma_wait3A_82, %dma_wait3A_83] : memref<200x64xf32, #tpu.memory_space<vmem>> -> memref<100x64xf32, #tpu.memory_space<vmem>>
    %dma_wait3A_85 = arith.constant 0 : i32
    %dma_wait3A_86 = tpu.memref_slice %arg5[%dma_wait3A_81, %dma_wait3A_85] : memref<256x100xi32, #tpu.memory_space<vmem>> -> memref<1x100xi32, #tpu.memory_space<vmem>>
    %dma_wait3A_87 = tpu.memref_squeeze %dma_wait3A_86 : memref<1x100xi32, #tpu.memory_space<vmem>> -> memref<100xi32, #tpu.memory_space<vmem>>
    %dma_wait3A_88 = arith.constant 0 : i32
    %dma_wait3A_89 = arith.constant 0 : i32
    %dma_wait3A_90 = tpu.memref_slice %arg2[%dma_wait3A_88, %dma_wait3A_89] : memref<2000000x64xf32, #tpu.memory_space<hbm>> -> memref<2000000x64xf32, #tpu.memory_space<hbm>>
    tpu.wait_indirect_dma semaphore(%arg10 : memref<!tpu.dma_semaphore, #tpu.memory_space<semaphore_mem>>) src(%dma_wait3A_90 : memref<2000000x64xf32, #tpu.memory_space<hbm>>) dst(%dma_wait3A_84 : memref<100x64xf32, #tpu.memory_space<vmem>>)
    %mul3A_91 = arith.constant 128 : i32
    %mul3A_92 = arith.muli %add3A, %mul3A_91 : i32
    "tpu.region"() ({
      %run_scoped3A = tpu.sem_alloc : memref<!tpu.dma_semaphore, #tpu.memory_space<semaphore_mem>>
      %dma_start3A_93 = arith.constant 0 : i32
      %dma_start3A_94 = tpu.memref_slice %arg4[%mul3A_92, %dma_start3A_93] : memref<4096x64xf32, #tpu.memory_space<hbm>> -> memref<128x64xf32, #tpu.memory_space<hbm>>
      %dma_start3A_95 = arith.constant 0 : i32
      %dma_start3A_96 = tpu.memref_slice %arg4[%mul3A_92, %dma_start3A_95] : memref<4096x64xf32, #tpu.memory_space<hbm>> -> memref<128x64xf32, #tpu.memory_space<hbm>>
      tpu.enqueue_dma source(%arg8 : memref<128x64xf32, #tpu.memory_space<vmem>>) target(%dma_start3A_96 : memref<128x64xf32, #tpu.memory_space<hbm>>) target_semaphore(%run_scoped3A : memref<!tpu.dma_semaphore, #tpu.memory_space<semaphore_mem>>)
      %dma_wait3A_97 = arith.constant 0 : i32
      %dma_wait3A_98 = tpu.memref_slice %arg4[%mul3A_92, %dma_wait3A_97] : memref<4096x64xf32, #tpu.memory_space<hbm>> -> memref<128x64xf32, #tpu.memory_space<hbm>>
      %dma_wait3A_99 = arith.constant 0 : i32
      %dma_wait3A_100 = tpu.memref_slice %arg4[%mul3A_92, %dma_wait3A_99] : memref<4096x64xf32, #tpu.memory_space<hbm>> -> memref<128x64xf32, #tpu.memory_space<hbm>>
      tpu.wait_dma2 semaphore(%run_scoped3A : memref<!tpu.dma_semaphore, #tpu.memory_space<semaphore_mem>>) src(%arg8 : memref<128x64xf32, #tpu.memory_space<vmem>>) dst(%dma_wait3A_100 : memref<128x64xf32, #tpu.memory_space<hbm>>)
      tpu.yield
    }) : () -> ()
    return
  }
}

module attributes {stable_mosaic.version = 14 : i64} {
  func.func @body(%arg0: i32, %arg1: memref<64x16384xf32, #tpu.memory_space<vmem>>, %arg2: memref<16384x128xf32, #tpu.memory_space<vmem>>) attributes {dimension_semantics = [#tpu.dimension_semantics<arbitrary>], iteration_bounds = array<i64: 62>, scalar_prefetch = 0 : i64, scratch_operands = 0 : i64, tpu.core_type = #tpu.core_type<tc>, window_params = [{transform_indices = @transform_0, window_bounds = array<i64: 64, 16384>}, {transform_indices = @transform_1, window_bounds = array<i64: 16384, 128>}]} {
    %get3A = arith.constant 0 : index
    %get3A_0 = arith.constant 0 : index
    %get3A_1 = vector.load %arg1[%get3A, %get3A_0] : memref<64x16384xf32, #tpu.memory_space<vmem>>, vector<64x16384xf32>
    %transpose3A = tpu.transpose %get3A_1, [1, 0] : vector<64x16384xf32> -> vector<16384x64xf32>
    %swap3A = arith.constant 0 : index
    %swap3A_2 = arith.constant 0 : index
    %swap3A_3 = vector.load %arg2[%swap3A, %swap3A_2] : memref<16384x128xf32, #tpu.memory_space<vmem>>, vector<16384x64xf32>
    tpu.vector_store %arg2[%swap3A, %swap3A_2], %transpose3A {strides = array<i32>} : memref<16384x128xf32, #tpu.memory_space<vmem>>, vector<16384x64xf32>,
    return
  }
  func.func @transform_0(%arg0: i32) -> (i32, i32) {
    %c0_i32 = arith.constant 0 : i32
    %c0_i32_0 = arith.constant 0 : i32
    return %c0_i32, %arg0 : i32, i32
  }
  func.func @transform_1(%arg0: i32) -> (i32, i32) {
    %c0_i32 = arith.constant 0 : i32
    %c0_i32_0 = arith.constant 0 : i32
    return %arg0, %c0_i32 : i32, i32
  }
}

module attributes {stable_mosaic.version = 14 : i64} {
  func.func @body(%arg0: memref<4096x64xf32, #tpu.memory_space<vmem>>, %arg1: memref<64x10xf32, #tpu.memory_space<vmem>>, %arg2: memref<1x10xf32, #tpu.memory_space<vmem>>, %arg3: memref<4096x10xf32, #tpu.memory_space<vmem>>) attributes {dimension_semantics = [], scalar_prefetch = 0 : i64, scratch_operands = 0 : i64, tpu.core_type = #tpu.core_type<tc>} {
    %get3A = arith.constant 0 : index
    %get3A_0 = arith.constant 0 : index
    %get3A_1 = vector.load %arg0[%get3A, %get3A_0] : memref<4096x64xf32, #tpu.memory_space<vmem>>, vector<4096x64xf32>
    %get3A_2 = arith.constant 0 : index
    %get3A_3 = arith.constant 0 : index
    %get3A_4 = vector.load %arg1[%get3A_2, %get3A_3] : memref<64x10xf32, #tpu.memory_space<vmem>>, vector<64x10xf32>
    %dot_general3A = arith.constant dense<0.000000e+00> : vector<4096x10xf32>
    %dot_general3A_5 = tpu.matmul %get3A_1, %get3A_4, %dot_general3A {dimension_numbers = #tpu.dot_dimension_numbers<[1], [0], [0], [1], [0, 0, 1, 1], [], []>, transpose_lhs_hint = false} : vector<4096x64xf32>, vector<64x10xf32>, vector<4096x10xf32> -> vector<4096x10xf32>
    %mul3A = arith.constant 5.000000e-03 : f32
    %mul3A_6 = vector.broadcast %mul3A : f32 to vector<4096x10xf32>
    %mul3A_7 = arith.mulf %dot_general3A_5, %mul3A_6 : vector<4096x10xf32>
    %get3A_8 = arith.constant 0 : index
    %get3A_9 = arith.constant 0 : index
    %get3A_10 = vector.load %arg2[%get3A_8, %get3A_9] : memref<1x10xf32, #tpu.memory_space<vmem>>, vector<1x10xf32>
    %add3A = vector.broadcast %get3A_10 : vector<1x10xf32> to vector<4096x10xf32>
    %add3A_11 = arith.addf %mul3A_7, %add3A : vector<4096x10xf32>
    %swap3A = arith.constant 0 : index
    %swap3A_12 = arith.constant 0 : index
    %swap3A_13 = vector.load %arg3[%swap3A, %swap3A_12] : memref<4096x10xf32, #tpu.memory_space<vmem>>, vector<4096x10xf32>
    tpu.vector_store %arg3[%swap3A, %swap3A_12], %add3A_11 {strides = array<i32>} : memref<4096x10xf32, #tpu.memory_space<vmem>>, vector<4096x10xf32>,
    return
  }
}

</mosaic_0001>

<sc_bundles>
// kernel: kernel.5.cloned.1.call-start
scs
__scs_entry_jumppad:
0x0: {  	(pc) =	sbr.rel $0x88, $3  }
0x1: {  	(tag) =	ssettag $0x0;
	lr =	simm.s32 $0x1  }
0x2: {  	[smem:$0x3F9D] =	sst lr;
	_ =	strace $0xD0000000  }
0x3: {  	_ = 	snop  }
0x4: {  	_ = 	snop  }
0x5: {  	_ = 	snop  }
0x6: {  	_ = 	snop  }
0x7: {  	_ = 	snop  }
__scs_overlays_trampoline_lowered:
0x8: {  	[smem:$0x3FAC] =	sst s0  }
0x9: {  	[smem:$0x3FAD] =	sst s1  }
0xa: {  	[smem:$0x3FAE] =	sst s2  }
0xb: {  	[smem:$0x3FAF] =	sst s3  }
0xc: {  	[smem:$0x3FB0] =	sst s4  }
0xd: {  	[smem:$0x3FB1] =	sst s5  }
0xe: {  	[smem:$0x3FB2] =	sst s6  }
0xf: {  	[smem:$0x3FB3] =	sst s7  }
0x10: {  	[smem:$0x3FB4] =	sst s8  }
0x11: {  	[smem:$0x3FB5] =	sst s9;
	s0 =	simm.s32 @!p0 $0x0  }
0x12: {  	s1 =	sld [smem:$0x3F9B];
	s0 =	simm.s32 @p0 $0x1  }
0x13: {  	[smem:$0x3FB6] =	sst s0;
	s0 =	simm.s32 @!p1 $0x0  }
0x14: {  	s2 =	sld [smem:$0x3F9A];
	s0 =	simm.s32 @p1 $0x1  }
0x15: {  	[smem:$0x3FB7] =	sst s0;
	s0 =	simm.s32 @!p2 $0x0  }
0x16: {  	s3 =	sld [smem:$0x3FDB];
	s0 =	simm.s32 @p2 $0x1  }
0x17: {  	s4 =	simm.s32 $0x1BF5;
	[smem:$0x3FB9] =	sst s0  }
0x18: {  	s0 =	sld [smem:$0x3F9C];
	_ =	swait.ge [sflag:s4], $0x0  }
0x19: {  	s7 =	sld [smem:$0x3F9D]  }
0x1a: {  	s8 =	sadd.s32 $0xFFFFE003, lr  }
0x1b: {  	s9 =	sadd.s32 $0xFFFFFEF7, lr;
	s5 =	simm.s32 $0xFFFFFFFF;
	p2 =	slt.u32 s8, $0xFFFFF086  }
0x1c: {  	p1 =	slt.u32 s9, $0xF7A;
	s5 =	simm.s32 @!p2 $0x0  }
0x1d: {  	s5 =	simm.s32 @p1 $0x1;
	p0 =	seq.s32 s7, s2  }
0x1e: {  	s7 =	smul.u32 @!p0 $0xF7A, s2;
	p2 =	seq.s32 @!p0 s5, $0x0  }
0x1f: {  	s9 =	smul.u32 $0xF7A, s1;
	s8 =	simm.s32 @!p0 $0x1BF5;
	p2 =	por !p2, p0  }
0x20: {  	[sflag:s8] =	ssyncset.s32 @!p0 $0xFFFFF086;
	s6 =	sadd.s32 @!p0 s3, s7;
	s7 =	simm.s32 @!p0 $0x108  }
0x21: {  	s3 =	sadd.s32 s3, s9;
	s6 =	sadd.s32 @!p0 $0x88, s6;
	s7 =	simm.s32 @p2 $0x1082  }
0x22: {  	[simem:s7], [sflag:s8] =	dma.local @!p0 [hbm:s6], $0xF7A  }
0x23: {  	s9 =	sor.u32 $0xD0000000, s2;
	s6 =	simm.s32 $0x108;
	_ =	swait.ge @!p0 [sflag:s8], $0x0  }
0x24: {  	s3 =	sadd.s32 $0x88, s3;
	s6 =	simm.s32 @!p1 $0x1082;
	[sflag:s4] =	ssyncset.s32 $0xFFFFF086  }
0x25: {  	[simem:s6], [sflag:s4] =	dma.local [hbm:s3], $0xF7A  }
0x26: {  	[smem:$0x3F9D] =	sst s1;
	(tag) =	ssettag s2;
	_ =	strace s9  }
0x27: {  	s1 =	sld [smem:$0x3FAD]  }
0x28: {  	s2 =	sld [smem:$0x3FAE]  }
0x29: {  	s4 =	sld [smem:$0x3FB0]  }
0x2a: {  	p0 =	seq.s32 s5, $0x0;
	s5 =	sld [smem:$0x3FB1]  }
0x2b: {  	s6 =	sld [smem:$0x3FB2]  }
0x2c: {  	s7 =	sld [smem:$0x3FB3]  }
0x2d: {  	s3 =	simm.s32 $0x108;
	s8 =	sld [smem:$0x3FB4]  }
0x2e: {  	s3 =	simm.s32 @!p0 $0x1082;
	s9 =	sld [smem:$0x3FB5]  }
0x2f: {  	lr =	sadd.s32 s0, s3;
	s0 =	sld [smem:$0x3FAC]  }
0x30: {  	s3 =	sld [smem:$0x3FAF]  }
0x31: {  	[smem:$0x3FB8] =	sst s10  }
0x32: {  	s10 =	sld [smem:$0x3FB6];
	_ =	sdelay $0x3  }
0x33: {  	p0 =	seq.s32 s10, $0x1;
	s10 =	sld [smem:$0x3FB8];
	_ =	sdelay $0x3  }
0x34: {  	[smem:$0x3FB8] =	sst s10  }
0x35: {  	s10 =	sld [smem:$0x3FB7];
	_ =	sdelay $0x3  }
0x36: {  	p1 =	seq.s32 s10, $0x1;
	s10 =	sld [smem:$0x3FB8];
	_ =	sdelay $0x3  }
0x37: {  	[smem:$0x3FB8] =	sst s10  }
0x38: {  	s10 =	sld [smem:$0x3FB9]  }
0x39: {  	_ = 	snop;
	(pc) =	sbr.ind lr, $3  }
0x3a: {  	_ = 	snop  }
0x3b: {  	_ = 	snop  }
0x3c: {  	p2 =	seq.s32 s10, $0x1;
	s10 =	sld [smem:$0x3FB8]  }
0x3d: {  	_ =	shalt  }
0x3e: {  	_ =	shalt  }
0x3f: {  	_ =	shalt  }
0x40: {  	_ =	shalt  }
0x41: {  	_ =	shalt  }
0x42: {  	_ =	shalt  }
0x43: {  	_ =	shalt  }
0x44: {  	_ =	shalt  }
0x45: {  	_ =	shalt  }
0x46: {  	_ =	shalt  }
0x47: {  	_ =	shalt  }
0x48: {  	_ =	shalt  }
0x49: {  	_ =	shalt  }
0x4a: {  	_ =	shalt  }
0x4b: {  	_ =	shalt  }
0x4c: {  	_ =	shalt  }
0x4d: {  	_ =	shalt  }
0x4e: {  	_ =	shalt  }
0x4f: {  	_ =	shalt  }
0x50: {  	_ =	shalt  }
0x51: {  	_ =	shalt  }
0x52: {  	_ =	shalt  }
0x53: {  	_ =	shalt  }
0x54: {  	_ =	shalt  }
0x55: {  	_ =	shalt  }
0x56: {  	_ =	shalt  }
0x57: {  	_ =	shalt  }
0x58: {  	_ =	shalt  }
0x59: {  	_ =	shalt  }
0x5a: {  	_ =	shalt  }
0x5b: {  	_ =	shalt  }
0x5c: {  	_ =	shalt  }
0x5d: {  	_ =	shalt  }
0x5e: {  	_ =	shalt  }
0x5f: {  	_ =	shalt  }
0x60: {  	_ =	shalt  }
0x61: {  	_ =	shalt  }
0x62: {  	_ =	shalt  }
0x63: {  	_ =	shalt  }
0x64: {  	_ =	shalt  }
0x65: {  	_ =	shalt  }
0x66: {  	_ =	shalt  }
0x67: {  	_ =	shalt  }
0x68: {  	_ =	shalt  }
0x69: {  	_ =	shalt  }
0x6a: {  	_ =	shalt  }
0x6b: {  	_ =	shalt  }
0x6c: {  	_ =	shalt  }
0x6d: {  	_ =	shalt  }
0x6e: {  	_ =	shalt  }
0x6f: {  	_ =	shalt  }
0x70: {  	_ =	shalt  }
0x71: {  	_ =	shalt  }
0x72: {  	_ =	shalt  }
0x73: {  	_ =	shalt  }
0x74: {  	_ =	shalt  }
0x75: {  	_ =	shalt  }
0x76: {  	_ =	shalt  }
0x77: {  	_ =	shalt  }
0x78: {  	_ =	shalt  }
0x79: {  	_ =	shalt  }
0x7a: {  	_ =	shalt  }
0x7b: {  	_ =	shalt  }
0x7c: {  	_ =	shalt  }
0x7d: {  	_ =	shalt  }
0x7e: {  	_ =	shalt  }
0x7f: {  	_ =	shalt  }
0x80: {  	_ =	shalt  }
0x81: {  	_ =	shalt  }
0x82: {  	_ =	shalt  }
0x83: {  	_ =	shalt  }
0x84: {  	_ =	shalt  }
0x85: {  	_ =	shalt  }
0x86: {  	_ =	shalt  }
0x87: {  	_ =	shalt  }
.Lfunc_end0:
.L_simem_size_0:
called_computation_lowered:
.L_overlay_start_0:
0x88: {  	s2 =	sld [smem:$0x3FD9]  }
0x89: {  	s3 =	sld [smem:$0x3FFE];
	_ =	sdelay $0x1  }
0x8a: {  	s1 =	srdreg.scid  }
0x8b: {  	s0 =	sand.u32 $0x1, s1  }
0x8c: {  	s16 =	sshll.u32 s0, $0xA;
	s2 =	sadd.s32 s3, s2  }
0x8d: {  	s2 =	sadd.s32 s2, s16  }
0x8e: {  	[smem:$0x3FC4] =	sst s2  }
0x8f: {  	_ = 	snop  }
0x90: {  	(tm) =	ssettm $0x1  }
0x91: {  	s17 =	sld [smem:$0x3FFB];
	_ =	sdelay $0x3  }
0x92: {  	_ =	strace s17  }
0x93: {  	s2 =	sld [smem:$0x3FFC];
	_ =	sdelay $0x3  }
0x94: {  	_ =	strace s2  }
0x95: {  	s2 =	sld [smem:$0x3FFD];
	_ =	sdelay $0x3  }
0x96: {  	_ =	strace s2  }
0x97: {  	_ =	strace $0x8FFFFFFF  }
0x98: {  	s18 =	sld [smem:$0x3FDB];
	_ =	sdelay $0x1  }
0x99: {  	s19 =	simm.s32 $_scs_section_size  }
0x9a: {  	s4 =	simm.s32 $_size__tile_overlayer_lowered;
	s5 =	simm.s32 $_tile_overlayer_lowered  }
0x9b: {  	s22 =	simm.s32 $0x1BFF;
	s21 =	sshll.u32 s5, $0x1;
	s2 =	sadd.s32 s19, s18  }
0x9c: {  	s6 =	simm.s32 $0x0;
	s20 =	sshll.u32 s4, $0x1;
	s4 =	sadd.s32 s21, s2  }
0x9d: {  	[timem:s6], [sflag:s22] =	dma.local [hbm:s4], s20  }
0x9e: {  	_ =	swait.ge [sflag:s22], s20  }
0x9f: {  	s3 =	ssub.s32 $0x0, s20;
	[sflag:s22] =	ssyncset.done $0x0  }
0xa0: {  	[sflag:s22] =	ssyncadd.s32 s3;
	_ =	sdelay $0x1  }
0xa1: {  	s23 =	simm.s32 $0x1B8B  }
0xa2: {  	_ =	swait.ge [sflag:s23], $0x1  }
0xa3: {  	[sflag:s23] =	ssyncset.done $0x0  }
0xa4: {  	s25 =	simm.s32 $0x1B8E;
	s24 =	sld [smem:$0x3FFE];
	[sflag:s23] =	ssyncadd.s32 $0xFFFFFFFF  }
0xa5: {  	s26 =	simm.s32 $execute0_lowered;
	[smem:$0x3FD2] =	sst s25  }
0xa6: {  	s4 =	sshll.u32 s26, $0x1;
	_ =	strace $0x80000046;
	[dreg:$0x1] =	wrdreg $0xFFFFFFFF  }
0xa7: {  	s28 =	simm.s32 $_size_execute0_lowered;
	s2 =	sadd.s32 s2, s4;
	[dreg:$0x0] =	wrdreg $0x0  }
0xa8: {  	s4 =	sshll.u32 s28, $0x1;
	[dreg:$0x2] =	wrdreg s2  }
0xa9: {  	[dreg:$0x3] =	wrdreg s4  }
0xaa: {  	[dreg:$0x4] =	wrdreg $0xC0  }
0xab: {  	_ =	task [dreg:s6], $0x5FFFF  }
0xac: {  	[dreg:$0x1] =	wrdreg $0xFFFFFFFF  }
0xad: {  	[dreg:$0x0] =	wrdreg $0x60  }
0xae: {  	[dreg:$0x2] =	wrdreg s24  }
0xaf: {  	[dreg:$0x3] =	wrdreg $0x9  }
0xb0: {  	_ =	task.clear_ibuf [dreg:s6], $0x4FFFF;
	_ =	strace $0x90000046  }
0xb1: {  	s29 =	simm.s32 $0x9;
	_ =	strace $0x80000048  }
0xb2: {  	_ =	swait.ge [sflag:s29], $0x1  }
0xb3: {  	[sflag:s29] =	ssyncadd.s32 $0xFFFFFFFF  }
0xb4: {  	_ =	strace $0x90000048  }
0xb5: {  	_ =	sfence  }
0xb6: {  	s30 =	sld [smem:$0x0];
	_ =	sdelay $0x2  }
0xb7: {  	s31 =	sshll.u32 s1, $0xD;
	s1 =	sshrl.u32 s1, $0x2  }
0xb8: {  	s3 =	sand.u32 $0x4000, s31;
	s1 =	sadd.s32 s1, s30  }
0xb9: {  	s0 =	sor.u32 s3, s0;
	s1 =	sshll.u32 s1, $0x11  }
0xba: {  	s0 =	sor.u32 s1, s0  }
0xbb: {  	s0 =	sadd.s32 $0x8F2B, s0  }
0xbc: {  	[sflag:s0] =	ssyncadd.remote.s32 $0x1  }
0xbd: {  	_ =	sfence.sel $0xFFFF  }
0xbe: {  	[dreg:$0x0] =	wrdreg $0xFFFFFFFF;
	(pc) =	sbr.abs _section_cstart, $3  }
0xbf: {  	[dreg:$0x1] =	wrdreg $0xFFFFFFFF  }
0xc0: {  	_ =	task.clear_ibuf [dreg:s6], $0x2FFFF;
	_ =	strace $0x9FFFFFFF  }
0xc1: {  	(tm) =	ssettm $0x7FFFFFFF  }
tec
execute0_lowered:
.L_overlay_start_1:
0x0: {  	(tag) =	ssettag $0x1  }
0x1: {  	s1 =	srdreg.scid  }
0x2: {  	s0 =	stileid.u32;
	s4 =	rddreg [dreg:$0x0];
	s2 =	simm.s32 $0x0  }
0x3: {  	s9 =	simm.s32 $0x6800;
	s10 =	simm.s32 $0x68;
	s11 =	simm.s32 $0x8100  }
0x4: {  	s12 =	simm.s32 $0xD0;
	s13 =	simm.s32 $0x9A00;
	s14 =	simm.s32 $0x138  }
0x5: {  	s15 =	simm.s32 $0xB300;
	s16 =	simm.s32 $0x1;
	s17 =	simm.s32 $0x2  }
0x6: {  	s18 =	simm.s32 $0xCC00;
	s5 =	sand.u32 $0x1, s1;
	s1 =	rddreg [dreg:$0x1]  }
0x7: {  	s19 =	simm.s32 $0x0;
	s3 =	sshll.u32 s0, $0x1;
	[smem:$0x7FF] =	sst s2  }
0x8: {  	s6 =	sor.u32 s5, s3;
	_ =	strace $0x80000047;
	s5 =	ssub.s32 $0x2, s5  }
0x9: {  	s7 =	smul.u32 $0xD00, s6;
	s6 =	sshll.u32 s6, $0xA;
	s8 =	sshrl.u32 s5, $0x1  }
0xa: {  	s3 =	sadd.s32 $0x1A800, s4;
	s6 =	sadd.s32 s6, s4;
	s8 =	ssub.s32 s5, s8  }
0xb: {  	s7 =	sadd.s32 s7, s4;
	s5 =	sadd.s32 $0xF5CC00, s6;
	s6 =	smax.u32 s8, $0x1  }
0xc: {  	s8 =	simm.s32 $0x64;
	s4 =	sadd.s32 $0x800, s7;
	s7 =	simm.s32 $0x3  }
.LBB2_1:
0xd: {  	[tilespmem:s2], [sflag:$0x3] =	stream.linear.gather [hbm4b:s4+s2], $0x6800, $0x38;
	[tilespmem:$0xEC00] =	vst v63  }
0xe: {  	_ =	swait.ge [sflag:s7], $0x6800  }
0xf: {  	[sflag:s7] =	ssyncset.done $0x0  }
0x10: {  	[sflag:s7] =	ssyncadd.s32 $0xFFFF9800  }
0x11: {  	[tilespmem:s9], [sflag:$0x1] =	stream.indirect.gather [hbm4b:s3+s8], $0x40, s2, s8, $0xb8;
	[tilespmem:$0xEC00] =	vst v63  }
0x12: {  	_ = 	snop  }
0x13: {  	[tilespmem:s11], [sflag:$0x1] =	stream.indirect.gather [hbm4b:s3+s8], $0x40, s10, s8, $0xb8;
	[tilespmem:$0xEC00] =	vst v63  }
0x14: {  	_ = 	snop  }
0x15: {  	[tilespmem:s13], [sflag:$0x2] =	stream.indirect.gather [hbm4b:s3+s8], $0x40, s12, s8, $0xb8;
	[tilespmem:$0xEC00] =	vst v63  }
0x16: {  	s20 =	simm.s32 $0x0  }
0x17: {  	[tilespmem:s15], [sflag:$0x2] =	stream.indirect.gather [hbm4b:s3+s8], $0x40, s14, s8, $0xb8;
	[tilespmem:$0xEC00] =	vst v63  }
.LBB2_2:
0x18: {  	_ =	swait.ge [sflag:s16], $0x1900  }
0x19: {  	[sflag:s16] =	ssyncset.done $0x0  }
0x1a: {  	[sflag:s16] =	ssyncadd.s32 $0xFFFFE700  }
0x1b: {  	_ =	swait.ge [sflag:s16], $0x1900  }
0x1c: {  	[sflag:s16] =	ssyncset.done $0x0  }
0x1d: {  	s22 =	simm.s32 $0x6A80;
	[sflag:s16] =	ssyncadd.s32 $0xFFFFE700  }
0x1e: {  	v1 =	vld [tilespmem:s22+$0x240]  }
0x1f: {  	v0 =	vld [tilespmem:s22+$0x250]  }
0x20: {  	v2 =	vld [tilespmem:s22+$0x200]  }
0x21: {  	v3 =	vld [tilespmem:s22+$0x210]  }
0x22: {  	v4 =	vld [tilespmem:s22+$0x1C0]  }
0x23: {  	v5 =	vld [tilespmem:s22+$0x1D0]  }
0x24: {  	v6 =	vld [tilespmem:s22+$0x180]  }
0x25: {  	v7 =	vld [tilespmem:s22+$0x190]  }
0x26: {  	v8 =	vld [tilespmem:s22+$0x140]  }
0x27: {  	v9 =	vld [tilespmem:s22+$0x150]  }
0x28: {  	v10 =	vld [tilespmem:s22+$0x100]  }
0x29: {  	v11 =	vld [tilespmem:s22+$0x110]  }
0x2a: {  	v12 =	vld [tilespmem:s22+$0xC0]  }
0x2b: {  	v13 =	vld [tilespmem:s22+$0xD0]  }
0x2c: {  	v14 =	vld [tilespmem:s22+$0x80]  }
0x2d: {  	v15 =	vld [tilespmem:s22+$0x90]  }
0x2e: {  	v16 =	vld [tilespmem:s22+$0x40]  }
0x2f: {  	v17 =	vld [tilespmem:s22+$0x50]  }
0x30: {  	v18 =	vld [tilespmem:s22+$0x0]  }
0x31: {  	v19 =	vld [tilespmem:s22+$0x10]  }
0x32: {  	v20 =	vld [tilespmem:s22+$0xFFFFFFC0]  }
0x33: {  	v21 =	vld [tilespmem:s22+$0xFFFFFFD0]  }
0x34: {  	v22 =	vld [tilespmem:s22+$0xFFFFFF80]  }
0x35: {  	v23 =	vld [tilespmem:s22+$0xFFFFFF90]  }
0x36: {  	v24 =	vld [tilespmem:s22+$0xFFFFFF40]  }
0x37: {  	v25 =	vld [tilespmem:s22+$0xFFFFFF50]  }
0x38: {  	v26 =	vld [tilespmem:s22+$0xFFFFFF00]  }
0x39: {  	v27 =	vld [tilespmem:s22+$0xFFFFFF10]  }
0x3a: {  	v28 =	vld [tilespmem:s22+$0xFFFFFEC0]  }
0x3b: {  	v29 =	vld [tilespmem:s22+$0xFFFFFED0]  }
0x3c: {  	v30 =	vld [tilespmem:s22+$0xFFFFFE80]  }
0x3d: {  	v31 =	vld [tilespmem:s22+$0xFFFFFE90]  }
0x3e: {  	v32 =	vld [tilespmem:s22+$0xFFFFFE40]  }
0x3f: {  	v33 =	vld [tilespmem:s22+$0xFFFFFE50]  }
0x40: {  	v34 =	vld [tilespmem:s22+$0xFFFFFE00]  }
0x41: {  	v35 =	vld [tilespmem:s22+$0xFFFFFE10]  }
0x42: {  	v36 =	vld [tilespmem:s22+$0xFFFFFDC0]  }
0x43: {  	v37 =	vld [tilespmem:s22+$0xFFFFFDD0]  }
0x44: {  	v38 =	vld [tilespmem:s22+$0xFFFFFD80]  }
0x45: {  	v39 =	vld [tilespmem:s22+$0xFFFFFD90]  }
0x46: {  	v40 =	vld [tilespmem:s22+$0xFFFFFDA0]  }
0x47: {  	v41 =	vld [tilespmem:s22+$0xFFFFFDB0]  }
0x48: {  	v42 =	vld [tilespmem:s22+$0xFFFFFDE0]  }
0x49: {  	v43 =	vld [tilespmem:s22+$0xFFFFFDF0]  }
0x4a: {  	v44 =	vimm.f32 $0.0e+00;
	v45 =	vld [tilespmem:s22+$0xFFFFFE20]  }
0x4b: {  	v46 =	vld [tilespmem:s22+$0xFFFFFE30];
	v38 =	vadd.f32 v38, v44;
	v39 =	vadd.f32 v39, v44  }
0x4c: {  	v58 =	vld [tilespmem:s22+$0xFFFFFE60];
	v40 =	vadd.f32 v40, v44;
	v41 =	vadd.f32 v41, v44  }
0x4d: {  	v59 =	vld [tilespmem:s22+$0xFFFFFE70];
	v36 =	vadd.f32 v36, v38;
	v37 =	vadd.f32 v37, v39  }
0x4e: {  	v62 =	vld [tilespmem:s22+$0xFFFFFEA0];
	v60 =	vadd.f32 v42, v40;
	v61 =	vadd.f32 v43, v41  }
0x4f: {  	v63 =	vld [tilespmem:s22+$0xFFFFFEB0];
	v34 =	vadd.f32 v34, v36;
	v35 =	vadd.f32 v35, v37  }
0x50: {  	v47 =	vld [tilespmem:s22+$0xFFFFFEE0];
	v45 =	vadd.f32 v45, v60;
	v46 =	vadd.f32 v46, v61  }
0x51: {  	v48 =	vld [tilespmem:s22+$0xFFFFFEF0];
	v32 =	vadd.f32 v32, v34;
	v33 =	vadd.f32 v33, v35  }
0x52: {  	v51 =	vld [tilespmem:s22+$0xFFFFFF20];
	v49 =	vadd.f32 v58, v45;
	v50 =	vadd.f32 v59, v46  }
0x53: {  	v52 =	vld [tilespmem:s22+$0xFFFFFF30];
	v30 =	vadd.f32 v30, v32;
	v31 =	vadd.f32 v31, v33  }
0x54: {  	v55 =	vld [tilespmem:s22+$0xFFFFFF60];
	v53 =	vadd.f32 v62, v49;
	v54 =	vadd.f32 v63, v50  }
0x55: {  	v56 =	vld [tilespmem:s22+$0xFFFFFF70];
	v28 =	vadd.f32 v28, v30;
	v29 =	vadd.f32 v29, v31  }
0x56: {  	v60 =	vld [tilespmem:s22+$0xFFFFFFB0];
	v57 =	vadd.f32 v47, v53;
	v58 =	vadd.f32 v48, v54  }
0x57: {  	v59 =	vld [tilespmem:s22+$0xFFFFFFA0];
	v26 =	vadd.f32 v26, v28;
	v27 =	vadd.f32 v27, v29  }
0x58: {  	v35 =	vld [tilespmem:s22+$0xFFFFFFF0];
	v61 =	vadd.f32 v51, v57;
	v62 =	vadd.f32 v52, v58  }
0x59: {  	v63 =	vld [tilespmem:s22+$0xFFFFFFE0];
	v24 =	vadd.f32 v24, v26;
	v25 =	vadd.f32 v25, v27  }
0x5a: {  	v39 =	vld [tilespmem:s22+$0x20];
	v37 =	vadd.f32 v55, v61;
	v38 =	vadd.f32 v56, v62  }
0x5b: {  	v40 =	vld [tilespmem:s22+$0x30];
	v22 =	vadd.f32 v22, v24;
	v23 =	vadd.f32 v23, v25  }
0x5c: {  	v44 =	vld [tilespmem:s22+$0x70];
	v41 =	vadd.f32 v59, v37;
	v42 =	vadd.f32 v60, v38  }
0x5d: {  	v43 =	vld [tilespmem:s22+$0x60];
	v20 =	vadd.f32 v20, v22;
	v21 =	vadd.f32 v21, v23  }
0x5e: {  	v47 =	vld [tilespmem:s22+$0xA0];
	v45 =	vadd.f32 v63, v41;
	v46 =	vadd.f32 v35, v42  }
0x5f: {  	v48 =	vld [tilespmem:s22+$0xB0];
	v18 =	vadd.f32 v18, v20;
	v19 =	vadd.f32 v19, v21  }
0x60: {  	v51 =	vld [tilespmem:s22+$0xE0];
	v49 =	vadd.f32 v39, v45;
	v50 =	vadd.f32 v40, v46  }
0x61: {  	v52 =	vld [tilespmem:s22+$0xF0];
	v16 =	vadd.f32 v16, v18;
	v17 =	vadd.f32 v17, v19  }
0x62: {  	v55 =	vld [tilespmem:s22+$0x120];
	v53 =	vadd.f32 v43, v49;
	v54 =	vadd.f32 v44, v50  }
0x63: {  	v56 =	vld [tilespmem:s22+$0x130];
	v14 =	vadd.f32 v14, v16;
	v15 =	vadd.f32 v15, v17  }
0x64: {  	v59 =	vld [tilespmem:s22+$0x160];
	v57 =	vadd.f32 v47, v53;
	v58 =	vadd.f32 v48, v54  }
0x65: {  	v12 =	vadd.f32 v12, v14;
	v13 =	vadd.f32 v13, v15;
	v14 =	vld [tilespmem:s22+$0x170]  }
0x66: {  	v61 =	vld [tilespmem:s22+$0x1A0];
	v15 =	vadd.f32 v51, v57;
	v60 =	vadd.f32 v52, v58  }
0x67: {  	v12 =	vadd.f32 v10, v12;
	v11 =	vadd.f32 v11, v13;
	v13 =	vld [tilespmem:s22+$0x1B0]  }
0x68: {  	v15 =	vadd.f32 v55, v15;
	v16 =	vadd.f32 v56, v60;
	v10 =	vld [tilespmem:s22+$0x1E0]  }
0x69: {  	v12 =	vadd.f32 v8, v12;
	v11 =	vadd.f32 v9, v11;
	v9 =	vld [tilespmem:s22+$0x1F0]  }
0x6a: {  	v15 =	vadd.f32 v59, v15;
	v8 =	vld [tilespmem:s22+$0x220];
	v14 =	vadd.f32 v14, v16  }
0x6b: {  	v62 =	vadd.f32 v6, v12;
	v63 =	vadd.f32 v7, v11;
	v7 =	vld [tilespmem:s22+$0x230]  }
0x6c: {  	v12 =	vadd.f32 v61, v15;
	v6 =	vld [tilespmem:s22+$0x260];
	v11 =	vadd.f32 v13, v14  }
0x6d: {  	s21 =	simm.s32 $0x0;
	v13 =	vadd.f32 v4, v62;
	v4 =	vadd.f32 v5, v63;
	v5 =	vld [tilespmem:s22+$0x270];
	s22 =	simm.s32 $0x6F80  }
.LBB2_3:
0x6e: {  	v14 =	vld [tilespmem:s22+$0x240];
	v10 =	vadd.f32 v10, v12;
	v9 =	vadd.f32 v9, v11  }
0x6f: {  	v11 =	vld [tilespmem:s22+$0x250];
	v12 =	vadd.f32 v2, v13;
	v4 =	vadd.f32 v3, v4  }
0x70: {  	v2 =	vld [tilespmem:s22+$0x200];
	v8 =	vadd.f32 v8, v10;
	v7 =	vadd.f32 v7, v9  }
0x71: {  	v3 =	vld [tilespmem:s22+$0x210];
	v20 =	vadd.f32 v1, v12;
	v21 =	vadd.f32 v0, v4  }
0x72: {  	v4 =	vld [tilespmem:s22+$0x1C0];
	v22 =	vadd.f32 v6, v8;
	v23 =	vadd.f32 v5, v7  }
0x73: {  	v5 =	vld [tilespmem:s22+$0x1D0];
	v1 =	vmov v14  }
0x74: {  	v6 =	vld [tilespmem:s22+$0x180];
	v0 =	vmov v11  }
0x75: {  	v7 =	vld [tilespmem:s22+$0x190]  }
0x76: {  	v8 =	vld [tilespmem:s22+$0x140]  }
0x77: {  	v9 =	vld [tilespmem:s22+$0x150]  }
0x78: {  	v10 =	vld [tilespmem:s22+$0x100]  }
0x79: {  	v11 =	vld [tilespmem:s22+$0x110]  }
0x7a: {  	v12 =	vld [tilespmem:s22+$0xC0]  }
0x7b: {  	v13 =	vld [tilespmem:s22+$0xD0]  }
0x7c: {  	v14 =	vld [tilespmem:s22+$0x80]  }
0x7d: {  	v15 =	vld [tilespmem:s22+$0x90]  }
0x7e: {  	v16 =	vld [tilespmem:s22+$0x40]  }
0x7f: {  	v17 =	vld [tilespmem:s22+$0x50]  }
0x80: {  	v18 =	vld [tilespmem:s22+$0x0]  }
0x81: {  	v19 =	vld [tilespmem:s22+$0x10]  }
0x82: {  	v24 =	vld [tilespmem:s22+$0xFFFFFFC0]  }
0x83: {  	v25 =	vld [tilespmem:s22+$0xFFFFFFD0]  }
0x84: {  	v26 =	vld [tilespmem:s22+$0xFFFFFF80]  }
0x85: {  	v27 =	vld [tilespmem:s22+$0xFFFFFF90]  }
0x86: {  	v28 =	vld [tilespmem:s22+$0xFFFFFF40]  }
0x87: {  	v29 =	vld [tilespmem:s22+$0xFFFFFF50]  }
0x88: {  	v30 =	vld [tilespmem:s22+$0xFFFFFF00]  }
0x89: {  	v31 =	vld [tilespmem:s22+$0xFFFFFF10]  }
0x8a: {  	v32 =	vld [tilespmem:s22+$0xFFFFFEC0]  }
0x8b: {  	v33 =	vld [tilespmem:s22+$0xFFFFFED0]  }
0x8c: {  	v34 =	vld [tilespmem:s22+$0xFFFFFE80]  }
0x8d: {  	v35 =	vld [tilespmem:s22+$0xFFFFFE90]  }
0x8e: {  	v36 =	vld [tilespmem:s22+$0xFFFFFE40]  }
0x8f: {  	v37 =	vld [tilespmem:s22+$0xFFFFFE50]  }
0x90: {  	v38 =	vld [tilespmem:s22+$0xFFFFFE00]  }
0x91: {  	v39 =	vld [tilespmem:s22+$0xFFFFFE10]  }
0x92: {  	v40 =	vld [tilespmem:s22+$0xFFFFFDC0]  }
0x93: {  	v41 =	vld [tilespmem:s22+$0xFFFFFDD0]  }
0x94: {  	v42 =	vld [tilespmem:s22+$0xFFFFFD80]  }
0x95: {  	v43 =	vld [tilespmem:s22+$0xFFFFFD90]  }
0x96: {  	v44 =	vld [tilespmem:s22+$0xFFFFFDA0]  }
0x97: {  	s21 =	sadd.s32 $0x14, s21;
	v45 =	vld [tilespmem:s22+$0xFFFFFDB0]  }
0x98: {  	p0 =	slt.u32 s21, $0xB4;
	v46 =	vld [tilespmem:s22+$0xFFFFFDE0]  }
0x99: {  	v47 =	vld [tilespmem:s22+$0xFFFFFDF0]  }
0x9a: {  	v48 =	vld [tilespmem:s22+$0xFFFFFE20]  }
0x9b: {  	v20 =	vadd.f32 v42, v20;
	v21 =	vadd.f32 v43, v21;
	v42 =	vld [tilespmem:s22+$0xFFFFFE30]  }
0x9c: {  	v22 =	vadd.f32 v44, v22;
	v23 =	vadd.f32 v45, v23;
	v43 =	vld [tilespmem:s22+$0xFFFFFE60]  }
0x9d: {  	v20 =	vadd.f32 v40, v20;
	v21 =	vadd.f32 v41, v21;
	v40 =	vld [tilespmem:s22+$0xFFFFFE70]  }
0x9e: {  	v22 =	vadd.f32 v46, v22;
	v23 =	vadd.f32 v47, v23;
	v41 =	vld [tilespmem:s22+$0xFFFFFEA0]  }
0x9f: {  	v20 =	vadd.f32 v38, v20;
	v21 =	vadd.f32 v39, v21;
	v38 =	vld [tilespmem:s22+$0xFFFFFEB0]  }
0xa0: {  	v22 =	vadd.f32 v48, v22;
	v23 =	vadd.f32 v42, v23;
	v39 =	vld [tilespmem:s22+$0xFFFFFEE0]  }
0xa1: {  	v20 =	vadd.f32 v36, v20;
	v21 =	vadd.f32 v37, v21;
	v36 =	vld [tilespmem:s22+$0xFFFFFEF0]  }
0xa2: {  	v22 =	vadd.f32 v43, v22;
	v23 =	vadd.f32 v40, v23;
	v37 =	vld [tilespmem:s22+$0xFFFFFF20]  }
0xa3: {  	v20 =	vadd.f32 v34, v20;
	v21 =	vadd.f32 v35, v21;
	v34 =	vld [tilespmem:s22+$0xFFFFFF30]  }
0xa4: {  	v22 =	vadd.f32 v41, v22;
	v23 =	vadd.f32 v38, v23;
	v35 =	vld [tilespmem:s22+$0xFFFFFF60]  }
0xa5: {  	v20 =	vadd.f32 v32, v20;
	v21 =	vadd.f32 v33, v21;
	v32 =	vld [tilespmem:s22+$0xFFFFFF70]  }
0xa6: {  	v22 =	vadd.f32 v39, v22;
	v23 =	vadd.f32 v36, v23;
	v33 =	vld [tilespmem:s22+$0xFFFFFFA0]  }
0xa7: {  	v20 =	vadd.f32 v30, v20;
	v21 =	vadd.f32 v31, v21;
	v30 =	vld [tilespmem:s22+$0xFFFFFFB0]  }
0xa8: {  	v22 =	vadd.f32 v37, v22;
	v23 =	vadd.f32 v34, v23;
	v31 =	vld [tilespmem:s22+$0xFFFFFFE0]  }
0xa9: {  	v20 =	vadd.f32 v28, v20;
	v21 =	vadd.f32 v29, v21;
	v28 =	vld [tilespmem:s22+$0xFFFFFFF0]  }
0xaa: {  	v22 =	vadd.f32 v35, v22;
	v23 =	vadd.f32 v32, v23;
	v29 =	vld [tilespmem:s22+$0x20]  }
0xab: {  	v20 =	vadd.f32 v26, v20;
	v21 =	vadd.f32 v27, v21;
	v26 =	vld [tilespmem:s22+$0x30]  }
0xac: {  	v22 =	vadd.f32 v33, v22;
	v23 =	vadd.f32 v30, v23;
	v27 =	vld [tilespmem:s22+$0x60]  }
0xad: {  	v20 =	vadd.f32 v24, v20;
	v21 =	vadd.f32 v25, v21;
	v24 =	vld [tilespmem:s22+$0x70]  }
0xae: {  	v22 =	vadd.f32 v31, v22;
	v23 =	vadd.f32 v28, v23;
	v25 =	vld [tilespmem:s22+$0xA0]  }
0xaf: {  	v18 =	vadd.f32 v18, v20;
	v19 =	vadd.f32 v19, v21;
	v20 =	vld [tilespmem:s22+$0xB0]  }
0xb0: {  	v21 =	vadd.f32 v29, v22;
	v22 =	vadd.f32 v26, v23;
	v23 =	vld [tilespmem:s22+$0xE0]  }
0xb1: {  	v16 =	vadd.f32 v16, v18;
	v17 =	vadd.f32 v17, v19;
	v18 =	vld [tilespmem:s22+$0xF0]  }
0xb2: {  	v19 =	vadd.f32 v27, v21;
	v21 =	vadd.f32 v24, v22;
	v22 =	vld [tilespmem:s22+$0x120]  }
0xb3: {  	v14 =	vadd.f32 v14, v16;
	v15 =	vadd.f32 v15, v17;
	v16 =	vld [tilespmem:s22+$0x130]  }
0xb4: {  	v17 =	vadd.f32 v25, v19;
	v19 =	vadd.f32 v20, v21;
	v20 =	vld [tilespmem:s22+$0x160]  }
0xb5: {  	v12 =	vadd.f32 v12, v14;
	v13 =	vadd.f32 v13, v15;
	v14 =	vld [tilespmem:s22+$0x170]  }
0xb6: {  	v15 =	vadd.f32 v23, v17;
	v17 =	vadd.f32 v18, v19;
	v18 =	vld [tilespmem:s22+$0x1A0]  }
0xb7: {  	v12 =	vadd.f32 v10, v12;
	v11 =	vadd.f32 v11, v13;
	v13 =	vld [tilespmem:s22+$0x1B0]  }
0xb8: {  	v15 =	vadd.f32 v22, v15;
	v16 =	vadd.f32 v16, v17;
	v10 =	vld [tilespmem:s22+$0x1E0]  }
.Ltmp0:
0xb9: {  	v12 =	vadd.f32 v8, v12;
	v11 =	vadd.f32 v9, v11;
	v9 =	vld [tilespmem:s22+$0x1F0];
	(pc) =	sbr.rel @p0 .LBB2_3-.Ltmp0, $4  }
0xba: {  	v15 =	vadd.f32 v20, v15;
	v14 =	vadd.f32 v14, v16;
	v8 =	vld [tilespmem:s22+$0x220]  }
0xbb: {  	v16 =	vadd.f32 v6, v12;
	v17 =	vadd.f32 v7, v11;
	v7 =	vld [tilespmem:s22+$0x230]  }
0xbc: {  	v12 =	vadd.f32 v18, v15;
	v11 =	vadd.f32 v13, v14;
	v6 =	vld [tilespmem:s22+$0x260]  }
0xbd: {  	v13 =	vadd.f32 v4, v16;
	v4 =	vadd.f32 v5, v17;
	v5 =	vld [tilespmem:s22+$0x270];
	s22 =	sadd.s32 $0x500, s22  }
0xbe: {  	_ = 	snop  }
0xbf: {  	v10 =	vadd.f32 v10, v12;
	v2 =	vadd.f32 v2, v13  }
0xc0: {  	v9 =	vadd.f32 v9, v11;
	v3 =	vadd.f32 v3, v4  }
0xc1: {  	s22 =	sshll.u32 s20, $0x2;
	s21 =	sshll.u32 s20, $0x7;
	v4 =	vadd.f32 v8, v10;
	v1 =	vadd.f32 v1, v2  }
0xc2: {  	s21 =	sand.u32 $0x3FFFFF80, s21;
	s23 =	smin.u32 s22, $0xFA;
	v2 =	vadd.f32 v7, v9;
	v0 =	vadd.f32 v0, v3  }
0xc3: {  	s23 =	smul.u32 $0x1A0, s23;
	v3 =	vadd.f32 v6, v4;
	[tilespmem:s21+$0xCC00] =	vst v1  }
0xc4: {  	v1 =	vadd.f32 v5, v2;
	[tilespmem:s21+$0xCC10] =	vst v0  }
0xc5: {  	s23 =	sshrl.u32 s23, $0x2;
	[tilespmem:s21+$0xCC20] =	vst v3  }
0xc6: {  	s24 =	sadd.s32 $0x1A0, s23;
	[tilespmem:s21+$0xCC30] =	vst v1  }
0xc7: {  	[tilespmem:s9], [sflag:$0x1] =	stream.indirect.gather [hbm4b:s3+s8], $0x40, s24, s8, $0xb8;
	[tilespmem:$0xEC00] =	vst v63  }
0xc8: {  	s23 =	sadd.s32 $0x208, s23  }
0xc9: {  	[tilespmem:s11], [sflag:$0x1] =	stream.indirect.gather [hbm4b:s3+s8], $0x40, s23, s8, $0xb8;
	[tilespmem:$0xEC00] =	vst v63  }
0xca: {  	_ =	swait.ge [sflag:s17], $0x1900  }
0xcb: {  	[sflag:s17] =	ssyncset.done $0x0  }
0xcc: {  	[sflag:s17] =	ssyncadd.s32 $0xFFFFE700  }
0xcd: {  	_ =	swait.ge [sflag:s17], $0x1900  }
0xce: {  	[sflag:s17] =	ssyncset.done $0x0  }
0xcf: {  	s31 =	simm.s32 $0x9C80;
	[sflag:s17] =	ssyncadd.s32 $0xFFFFE700  }
0xd0: {  	v0 =	vld [tilespmem:s31+$0x240]  }
0xd1: {  	v1 =	vld [tilespmem:s31+$0x250]  }
0xd2: {  	v2 =	vld [tilespmem:s31+$0x200]  }
0xd3: {  	v3 =	vld [tilespmem:s31+$0x210]  }
0xd4: {  	v4 =	vld [tilespmem:s31+$0x1C0]  }
0xd5: {  	v5 =	vld [tilespmem:s31+$0x1D0]  }
0xd6: {  	v6 =	vld [tilespmem:s31+$0x180]  }
0xd7: {  	v7 =	vld [tilespmem:s31+$0x190]  }
0xd8: {  	v8 =	vld [tilespmem:s31+$0x140]  }
0xd9: {  	v9 =	vld [tilespmem:s31+$0x150]  }
0xda: {  	v10 =	vld [tilespmem:s31+$0x100]  }
0xdb: {  	v11 =	vld [tilespmem:s31+$0x110]  }
0xdc: {  	v12 =	vld [tilespmem:s31+$0xC0]  }
0xdd: {  	v13 =	vld [tilespmem:s31+$0xD0]  }
0xde: {  	v14 =	vld [tilespmem:s31+$0x80]  }
0xdf: {  	v15 =	vld [tilespmem:s31+$0x90]  }
0xe0: {  	v16 =	vld [tilespmem:s31+$0x40]  }
0xe1: {  	v17 =	vld [tilespmem:s31+$0x50]  }
0xe2: {  	v18 =	vld [tilespmem:s31+$0x0]  }
0xe3: {  	v19 =	vld [tilespmem:s31+$0x10]  }
0xe4: {  	v20 =	vld [tilespmem:s31+$0xFFFFFFC0]  }
0xe5: {  	v21 =	vld [tilespmem:s31+$0xFFFFFFD0]  }
0xe6: {  	v22 =	vld [tilespmem:s31+$0xFFFFFF80]  }
0xe7: {  	v23 =	vld [tilespmem:s31+$0xFFFFFF90]  }
0xe8: {  	v24 =	vld [tilespmem:s31+$0xFFFFFF40]  }
0xe9: {  	v25 =	vld [tilespmem:s31+$0xFFFFFF50]  }
0xea: {  	v26 =	vld [tilespmem:s31+$0xFFFFFF00]  }
0xeb: {  	v27 =	vld [tilespmem:s31+$0xFFFFFF10]  }
0xec: {  	v28 =	vld [tilespmem:s31+$0xFFFFFEC0]  }
0xed: {  	v29 =	vld [tilespmem:s31+$0xFFFFFED0]  }
0xee: {  	v30 =	vld [tilespmem:s31+$0xFFFFFE80]  }
0xef: {  	v31 =	vld [tilespmem:s31+$0xFFFFFE90]  }
0xf0: {  	v32 =	vld [tilespmem:s31+$0xFFFFFE40]  }
0xf1: {  	v33 =	vld [tilespmem:s31+$0xFFFFFE50]  }
0xf2: {  	v34 =	vld [tilespmem:s31+$0xFFFFFE00]  }
0xf3: {  	v35 =	vld [tilespmem:s31+$0xFFFFFE10]  }
0xf4: {  	v36 =	vld [tilespmem:s31+$0xFFFFFDC0]  }
0xf5: {  	v37 =	vld [tilespmem:s31+$0xFFFFFDD0]  }
0xf6: {  	v38 =	vld [tilespmem:s31+$0xFFFFFD80]  }
0xf7: {  	v39 =	vld [tilespmem:s31+$0xFFFFFD90]  }
0xf8: {  	v40 =	vld [tilespmem:s31+$0xFFFFFDA0]  }
0xf9: {  	v41 =	vld [tilespmem:s31+$0xFFFFFDB0]  }
0xfa: {  	v42 =	vld [tilespmem:s31+$0xFFFFFDE0]  }
0xfb: {  	v43 =	vld [tilespmem:s31+$0xFFFFFDF0]  }
0xfc: {  	v44 =	vimm.f32 $0.0e+00;
	v45 =	vld [tilespmem:s31+$0xFFFFFE20]  }
0xfd: {  	v46 =	vld [tilespmem:s31+$0xFFFFFE30];
	v38 =	vadd.f32 v38, v44;
	v39 =	vadd.f32 v39, v44  }
0xfe: {  	v58 =	vld [tilespmem:s31+$0xFFFFFE60];
	v40 =	vadd.f32 v40, v44;
	v41 =	vadd.f32 v41, v44  }
0xff: {  	v59 =	vld [tilespmem:s31+$0xFFFFFE70];
	v36 =	vadd.f32 v36, v38;
	v37 =	vadd.f32 v37, v39  }
0x100: {  	v62 =	vld [tilespmem:s31+$0xFFFFFEA0];
	v60 =	vadd.f32 v42, v40;
	v61 =	vadd.f32 v43, v41  }
0x101: {  	v63 =	vld [tilespmem:s31+$0xFFFFFEB0];
	v34 =	vadd.f32 v34, v36;
	v35 =	vadd.f32 v35, v37  }
0x102: {  	v47 =	vld [tilespmem:s31+$0xFFFFFEE0];
	v45 =	vadd.f32 v45, v60;
	v46 =	vadd.f32 v46, v61  }
0x103: {  	v48 =	vld [tilespmem:s31+$0xFFFFFEF0];
	v32 =	vadd.f32 v32, v34;
	v33 =	vadd.f32 v33, v35  }
0x104: {  	v51 =	vld [tilespmem:s31+$0xFFFFFF20];
	v49 =	vadd.f32 v58, v45;
	v50 =	vadd.f32 v59, v46  }
0x105: {  	v52 =	vld [tilespmem:s31+$0xFFFFFF30];
	v30 =	vadd.f32 v30, v32;
	v31 =	vadd.f32 v31, v33  }
0x106: {  	v55 =	vld [tilespmem:s31+$0xFFFFFF60];
	v53 =	vadd.f32 v62, v49;
	v54 =	vadd.f32 v63, v50  }
0x107: {  	v56 =	vld [tilespmem:s31+$0xFFFFFF70];
	v28 =	vadd.f32 v28, v30;
	v29 =	vadd.f32 v29, v31  }
0x108: {  	v60 =	vld [tilespmem:s31+$0xFFFFFFB0];
	v57 =	vadd.f32 v47, v53;
	v58 =	vadd.f32 v48, v54  }
0x109: {  	v59 =	vld [tilespmem:s31+$0xFFFFFFA0];
	v26 =	vadd.f32 v26, v28;
	v27 =	vadd.f32 v27, v29  }
0x10a: {  	v35 =	vld [tilespmem:s31+$0xFFFFFFF0];
	v61 =	vadd.f32 v51, v57;
	v62 =	vadd.f32 v52, v58  }
0x10b: {  	v63 =	vld [tilespmem:s31+$0xFFFFFFE0];
	v24 =	vadd.f32 v24, v26;
	v25 =	vadd.f32 v25, v27  }
0x10c: {  	v39 =	vld [tilespmem:s31+$0x20];
	v37 =	vadd.f32 v55, v61;
	v38 =	vadd.f32 v56, v62  }
0x10d: {  	v40 =	vld [tilespmem:s31+$0x30];
	v22 =	vadd.f32 v22, v24;
	v23 =	vadd.f32 v23, v25  }
0x10e: {  	v44 =	vld [tilespmem:s31+$0x70];
	v41 =	vadd.f32 v59, v37;
	v42 =	vadd.f32 v60, v38  }
0x10f: {  	v43 =	vld [tilespmem:s31+$0x60];
	v20 =	vadd.f32 v20, v22;
	v21 =	vadd.f32 v21, v23  }
0x110: {  	v47 =	vld [tilespmem:s31+$0xA0];
	v45 =	vadd.f32 v63, v41;
	v46 =	vadd.f32 v35, v42  }
0x111: {  	v48 =	vld [tilespmem:s31+$0xB0];
	v18 =	vadd.f32 v18, v20;
	v19 =	vadd.f32 v19, v21  }
0x112: {  	v51 =	vld [tilespmem:s31+$0xE0];
	v49 =	vadd.f32 v39, v45;
	v50 =	vadd.f32 v40, v46  }
0x113: {  	v52 =	vld [tilespmem:s31+$0xF0];
	v16 =	vadd.f32 v16, v18;
	v17 =	vadd.f32 v17, v19  }
0x114: {  	v55 =	vld [tilespmem:s31+$0x120];
	v53 =	vadd.f32 v43, v49;
	v54 =	vadd.f32 v44, v50  }
0x115: {  	v56 =	vld [tilespmem:s31+$0x130];
	v14 =	vadd.f32 v14, v16;
	v15 =	vadd.f32 v15, v17  }
0x116: {  	v59 =	vld [tilespmem:s31+$0x160];
	v57 =	vadd.f32 v47, v53;
	v58 =	vadd.f32 v48, v54  }
0x117: {  	v12 =	vadd.f32 v12, v14;
	v13 =	vadd.f32 v13, v15;
	v14 =	vld [tilespmem:s31+$0x170]  }
0x118: {  	v61 =	vld [tilespmem:s31+$0x1A0];
	v15 =	vadd.f32 v51, v57;
	v60 =	vadd.f32 v52, v58  }
0x119: {  	v12 =	vadd.f32 v10, v12;
	v11 =	vadd.f32 v11, v13;
	v13 =	vld [tilespmem:s31+$0x1B0]  }
0x11a: {  	v15 =	vadd.f32 v55, v15;
	v16 =	vadd.f32 v56, v60;
	v10 =	vld [tilespmem:s31+$0x1E0]  }
0x11b: {  	v12 =	vadd.f32 v8, v12;
	v11 =	vadd.f32 v9, v11;
	v9 =	vld [tilespmem:s31+$0x1F0]  }
0x11c: {  	v15 =	vadd.f32 v59, v15;
	v8 =	vld [tilespmem:s31+$0x220];
	v14 =	vadd.f32 v14, v16  }
0x11d: {  	v62 =	vadd.f32 v6, v12;
	v63 =	vadd.f32 v7, v11;
	v7 =	vld [tilespmem:s31+$0x230]  }
0x11e: {  	v12 =	vadd.f32 v61, v15;
	v6 =	vld [tilespmem:s31+$0x260];
	v11 =	vadd.f32 v13, v14  }
0x11f: {  	s24 =	simm.s32 $0xA180;
	s23 =	simm.s32 $0x0;
	v13 =	vadd.f32 v4, v62;
	v4 =	vadd.f32 v5, v63;
	v5 =	vld [tilespmem:s31+$0x270]  }
.LBB2_5:
0x120: {  	v14 =	vld [tilespmem:s24+$0x240];
	v10 =	vadd.f32 v10, v12;
	v9 =	vadd.f32 v9, v11  }
0x121: {  	v11 =	vld [tilespmem:s24+$0x250];
	v12 =	vadd.f32 v2, v13;
	v4 =	vadd.f32 v3, v4  }
0x122: {  	v2 =	vld [tilespmem:s24+$0x200];
	v8 =	vadd.f32 v8, v10;
	v7 =	vadd.f32 v7, v9  }
0x123: {  	v3 =	vld [tilespmem:s24+$0x210];
	v20 =	vadd.f32 v0, v12;
	v21 =	vadd.f32 v1, v4  }
0x124: {  	v4 =	vld [tilespmem:s24+$0x1C0];
	v22 =	vadd.f32 v6, v8;
	v23 =	vadd.f32 v5, v7  }
0x125: {  	v5 =	vld [tilespmem:s24+$0x1D0];
	v0 =	vmov v14  }
0x126: {  	v6 =	vld [tilespmem:s24+$0x180];
	v1 =	vmov v11  }
0x127: {  	v7 =	vld [tilespmem:s24+$0x190]  }
0x128: {  	v8 =	vld [tilespmem:s24+$0x140]  }
0x129: {  	v9 =	vld [tilespmem:s24+$0x150]  }
0x12a: {  	v10 =	vld [tilespmem:s24+$0x100]  }
0x12b: {  	v11 =	vld [tilespmem:s24+$0x110]  }
0x12c: {  	v12 =	vld [tilespmem:s24+$0xC0]  }
0x12d: {  	v13 =	vld [tilespmem:s24+$0xD0]  }
0x12e: {  	v14 =	vld [tilespmem:s24+$0x80]  }
0x12f: {  	v15 =	vld [tilespmem:s24+$0x90]  }
0x130: {  	v16 =	vld [tilespmem:s24+$0x40]  }
0x131: {  	v17 =	vld [tilespmem:s24+$0x50]  }
0x132: {  	v18 =	vld [tilespmem:s24+$0x0]  }
0x133: {  	v19 =	vld [tilespmem:s24+$0x10]  }
0x134: {  	v24 =	vld [tilespmem:s24+$0xFFFFFFC0]  }
0x135: {  	v25 =	vld [tilespmem:s24+$0xFFFFFFD0]  }
0x136: {  	v26 =	vld [tilespmem:s24+$0xFFFFFF80]  }
0x137: {  	v27 =	vld [tilespmem:s24+$0xFFFFFF90]  }
0x138: {  	v28 =	vld [tilespmem:s24+$0xFFFFFF40]  }
0x139: {  	v29 =	vld [tilespmem:s24+$0xFFFFFF50]  }
0x13a: {  	v30 =	vld [tilespmem:s24+$0xFFFFFF00]  }
0x13b: {  	v31 =	vld [tilespmem:s24+$0xFFFFFF10]  }
0x13c: {  	v32 =	vld [tilespmem:s24+$0xFFFFFEC0]  }
0x13d: {  	v33 =	vld [tilespmem:s24+$0xFFFFFED0]  }
0x13e: {  	v34 =	vld [tilespmem:s24+$0xFFFFFE80]  }
0x13f: {  	v35 =	vld [tilespmem:s24+$0xFFFFFE90]  }
0x140: {  	v36 =	vld [tilespmem:s24+$0xFFFFFE40]  }
0x141: {  	v37 =	vld [tilespmem:s24+$0xFFFFFE50]  }
0x142: {  	v38 =	vld [tilespmem:s24+$0xFFFFFE00]  }
0x143: {  	v39 =	vld [tilespmem:s24+$0xFFFFFE10]  }
0x144: {  	v40 =	vld [tilespmem:s24+$0xFFFFFDC0]  }
0x145: {  	v41 =	vld [tilespmem:s24+$0xFFFFFDD0]  }
0x146: {  	v42 =	vld [tilespmem:s24+$0xFFFFFD80]  }
0x147: {  	v43 =	vld [tilespmem:s24+$0xFFFFFD90]  }
0x148: {  	v44 =	vld [tilespmem:s24+$0xFFFFFDA0]  }
0x149: {  	s23 =	sadd.s32 $0x14, s23;
	v45 =	vld [tilespmem:s24+$0xFFFFFDB0]  }
0x14a: {  	p0 =	slt.u32 s23, $0xB4;
	v46 =	vld [tilespmem:s24+$0xFFFFFDE0]  }
0x14b: {  	v47 =	vld [tilespmem:s24+$0xFFFFFDF0]  }
0x14c: {  	v48 =	vld [tilespmem:s24+$0xFFFFFE20]  }
0x14d: {  	v20 =	vadd.f32 v42, v20;
	v21 =	vadd.f32 v43, v21;
	v42 =	vld [tilespmem:s24+$0xFFFFFE30]  }
0x14e: {  	v22 =	vadd.f32 v44, v22;
	v23 =	vadd.f32 v45, v23;
	v43 =	vld [tilespmem:s24+$0xFFFFFE60]  }
0x14f: {  	v20 =	vadd.f32 v40, v20;
	v21 =	vadd.f32 v41, v21;
	v40 =	vld [tilespmem:s24+$0xFFFFFE70]  }
0x150: {  	v22 =	vadd.f32 v46, v22;
	v23 =	vadd.f32 v47, v23;
	v41 =	vld [tilespmem:s24+$0xFFFFFEA0]  }
0x151: {  	v20 =	vadd.f32 v38, v20;
	v21 =	vadd.f32 v39, v21;
	v38 =	vld [tilespmem:s24+$0xFFFFFEB0]  }
0x152: {  	v22 =	vadd.f32 v48, v22;
	v23 =	vadd.f32 v42, v23;
	v39 =	vld [tilespmem:s24+$0xFFFFFEE0]  }
0x153: {  	v20 =	vadd.f32 v36, v20;
	v21 =	vadd.f32 v37, v21;
	v36 =	vld [tilespmem:s24+$0xFFFFFEF0]  }
0x154: {  	v22 =	vadd.f32 v43, v22;
	v23 =	vadd.f32 v40, v23;
	v37 =	vld [tilespmem:s24+$0xFFFFFF20]  }
0x155: {  	v20 =	vadd.f32 v34, v20;
	v21 =	vadd.f32 v35, v21;
	v34 =	vld [tilespmem:s24+$0xFFFFFF30]  }
0x156: {  	v22 =	vadd.f32 v41, v22;
	v23 =	vadd.f32 v38, v23;
	v35 =	vld [tilespmem:s24+$0xFFFFFF60]  }
0x157: {  	v20 =	vadd.f32 v32, v20;
	v21 =	vadd.f32 v33, v21;
	v32 =	vld [tilespmem:s24+$0xFFFFFF70]  }
0x158: {  	v22 =	vadd.f32 v39, v22;
	v23 =	vadd.f32 v36, v23;
	v33 =	vld [tilespmem:s24+$0xFFFFFFA0]  }
0x159: {  	v20 =	vadd.f32 v30, v20;
	v21 =	vadd.f32 v31, v21;
	v30 =	vld [tilespmem:s24+$0xFFFFFFB0]  }
0x15a: {  	v22 =	vadd.f32 v37, v22;
	v23 =	vadd.f32 v34, v23;
	v31 =	vld [tilespmem:s24+$0xFFFFFFE0]  }
0x15b: {  	v20 =	vadd.f32 v28, v20;
	v21 =	vadd.f32 v29, v21;
	v28 =	vld [tilespmem:s24+$0xFFFFFFF0]  }
0x15c: {  	v22 =	vadd.f32 v35, v22;
	v23 =	vadd.f32 v32, v23;
	v29 =	vld [tilespmem:s24+$0x20]  }
0x15d: {  	v20 =	vadd.f32 v26, v20;
	v21 =	vadd.f32 v27, v21;
	v26 =	vld [tilespmem:s24+$0x30]  }
0x15e: {  	v22 =	vadd.f32 v33, v22;
	v23 =	vadd.f32 v30, v23;
	v27 =	vld [tilespmem:s24+$0x60]  }
0x15f: {  	v20 =	vadd.f32 v24, v20;
	v21 =	vadd.f32 v25, v21;
	v24 =	vld [tilespmem:s24+$0x70]  }
0x160: {  	v22 =	vadd.f32 v31, v22;
	v23 =	vadd.f32 v28, v23;
	v25 =	vld [tilespmem:s24+$0xA0]  }
0x161: {  	v18 =	vadd.f32 v18, v20;
	v19 =	vadd.f32 v19, v21;
	v20 =	vld [tilespmem:s24+$0xB0]  }
0x162: {  	v21 =	vadd.f32 v29, v22;
	v22 =	vadd.f32 v26, v23;
	v23 =	vld [tilespmem:s24+$0xE0]  }
0x163: {  	v16 =	vadd.f32 v16, v18;
	v17 =	vadd.f32 v17, v19;
	v18 =	vld [tilespmem:s24+$0xF0]  }
0x164: {  	v19 =	vadd.f32 v27, v21;
	v21 =	vadd.f32 v24, v22;
	v22 =	vld [tilespmem:s24+$0x120]  }
0x165: {  	v14 =	vadd.f32 v14, v16;
	v15 =	vadd.f32 v15, v17;
	v16 =	vld [tilespmem:s24+$0x130]  }
0x166: {  	v17 =	vadd.f32 v25, v19;
	v19 =	vadd.f32 v20, v21;
	v20 =	vld [tilespmem:s24+$0x160]  }
0x167: {  	v12 =	vadd.f32 v12, v14;
	v13 =	vadd.f32 v13, v15;
	v14 =	vld [tilespmem:s24+$0x170]  }
0x168: {  	v15 =	vadd.f32 v23, v17;
	v17 =	vadd.f32 v18, v19;
	v18 =	vld [tilespmem:s24+$0x1A0]  }
0x169: {  	v12 =	vadd.f32 v10, v12;
	v11 =	vadd.f32 v11, v13;
	v13 =	vld [tilespmem:s24+$0x1B0]  }
0x16a: {  	v15 =	vadd.f32 v22, v15;
	v16 =	vadd.f32 v16, v17;
	v10 =	vld [tilespmem:s24+$0x1E0]  }
.Ltmp1:
0x16b: {  	v12 =	vadd.f32 v8, v12;
	v11 =	vadd.f32 v9, v11;
	v9 =	vld [tilespmem:s24+$0x1F0];
	(pc) =	sbr.rel @p0 .LBB2_5-.Ltmp1, $4  }
0x16c: {  	v15 =	vadd.f32 v20, v15;
	v14 =	vadd.f32 v14, v16;
	v8 =	vld [tilespmem:s24+$0x220]  }
0x16d: {  	v16 =	vadd.f32 v6, v12;
	v17 =	vadd.f32 v7, v11;
	v7 =	vld [tilespmem:s24+$0x230]  }
0x16e: {  	v12 =	vadd.f32 v18, v15;
	v11 =	vadd.f32 v13, v14;
	v6 =	vld [tilespmem:s24+$0x260]  }
0x16f: {  	v13 =	vadd.f32 v4, v16;
	v4 =	vadd.f32 v5, v17;
	v5 =	vld [tilespmem:s24+$0x270];
	s24 =	sadd.s32 $0x500, s24  }
0x170: {  	_ = 	snop  }
0x171: {  	v10 =	vadd.f32 v10, v12;
	v2 =	vadd.f32 v2, v13  }
0x172: {  	v9 =	vadd.f32 v9, v11;
	v3 =	vadd.f32 v3, v4  }
0x173: {  	v60 =	vadd.f32 v8, v10;
	v0 =	vadd.f32 v0, v2  }
0x174: {  	s22 =	smin.u32 s22, $0xF8;
	v61 =	vadd.f32 v7, v9;
	v1 =	vadd.f32 v1, v3  }
0x175: {  	s20 =	sadd.s32 $0x1, s20;
	s22 =	smul.u32 $0x1A0, s22;
	v62 =	vadd.f32 v6, v60;
	[tilespmem:s21+$0xCC40] =	vst v0  }
0x176: {  	p0 =	sne.s32 s20, $0x40;
	v63 =	vadd.f32 v5, v61;
	[tilespmem:s21+$0xCC50] =	vst v1  }
.Ltmp2:
0x177: {  	s22 =	sshrl.u32 s22, $0x2;
	[tilespmem:s21+$0xCC60] =	vst v62;
	(pc) =	sbr.rel @p0 .LBB2_2-.Ltmp2, $4  }
0x178: {  	s30 =	sadd.s32 $0x270, s22;
	[tilespmem:s21+$0xCC70] =	vst v63  }
0x179: {  	[tilespmem:s13], [sflag:$0x2] =	stream.indirect.gather [hbm4b:s3+s8], $0x40, s30, s8, $0xb8;
	[tilespmem:$0xEC00] =	vst v63  }
0x17a: {  	s31 =	sadd.s32 $0x2D8, s22  }
0x17b: {  	[tilespmem:s15], [sflag:$0x2] =	stream.indirect.gather [hbm4b:s3+s8], $0x40, s31, s8, $0xb8;
	[tilespmem:$0xEC00] =	vst v63  }
0x17c: {  	_ =	swait.ge [sflag:s16], $0x1900  }
0x17d: {  	[sflag:s16] =	ssyncset.done $0x0  }
0x17e: {  	[sflag:s16] =	ssyncadd.s32 $0xFFFFE700  }
0x17f: {  	_ =	swait.ge [sflag:s16], $0x1900  }
0x180: {  	[sflag:s16] =	ssyncset.done $0x0  }
0x181: {  	[sflag:s16] =	ssyncadd.s32 $0xFFFFE700  }
0x182: {  	_ =	swait.ge [sflag:s17], $0x1900  }
0x183: {  	[sflag:s17] =	ssyncset.done $0x0  }
0x184: {  	[sflag:s17] =	ssyncadd.s32 $0xFFFFE700  }
0x185: {  	s19 =	sadd.s32 $0x1, s19;
	_ =	swait.ge [sflag:s17], $0x1900  }
0x186: {  	p0 =	sne.s32 s19, s6;
	[sflag:s17] =	ssyncset.done $0x0  }
.Ltmp3:
0x187: {  	[sflag:s17] =	ssyncadd.s32 $0xFFFFE700;
	(pc) =	sbr.rel @p0 .LBB2_1-.Ltmp3, $4  }
0x188: {  	[hbm4b:s5+s2] =	stream.linear.scatter [tilespmem:s18], [sflag:$0x3], $0x2000, $0x38;
	[tilespmem:$0xEC00] =	vst v63  }
0x189: {  	_ =	swait.ge [sflag:s7], $0x2000  }
0x18a: {  	[sflag:s7] =	ssyncset.done $0x0  }
0x18b: {  	[sflag:s7] =	ssyncadd.s32 $0xFFFFE000  }
0x18c: {  	_ =	sfence.sel $0x180000  }
0x18d: {  	[bflag:$0x0] =	sbarrier.arrive $0xFFFF  }
0x18e: {  	p0 =	sne.s32 s0, $0x0;
	_ =	strace $0x90000047  }
0x18f: {  	s0 =	sadd.s32 @!p0 $0x100000, s1;
	[bflag:$0x2] =	sbarrier.arrive $0xFFFF  }
0x190: {  	[sflag:s0] =	ssyncadd.tile.s32 @!p0 $0x1;
	_ =	shalt  }
.Lfunc_end2:
_tile_overlayer_lowered:
.L_overlay_start_2:
0x191: {  	(tag) =	ssettag $0x2  }
0x192: {  	s0 =	rddreg [dreg:$0x0];
	s2 =	stileid.u32  }
0x193: {  	s1 =	rddreg [dreg:$0x1];
	p0 =	sne.s32 s2, $0x0  }
0x194: {  	s3 =	rddreg [dreg:$0x2];
	[bflag:$0x3] =	sbarrier.arrive $0xFFFF;
	s2 =	simm.s32 @!p0 $0x1C03  }
0x195: {  	[timem:s3], [sflag:s2] =	dma.local @!p0 [hbm:s0], s1  }
0x196: {  	s0 =	simm.s32 @!p0 $0x3  }
0x197: {  	_ =	swait.ge @!p0 [sflag:s0], s1  }
0x198: {  	s1 =	ssub.s32 @!p0 $0x0, s1;
	[sflag:s0] =	ssyncset.done @!p0 $0x0  }
0x199: {  	[sflag:s0] =	ssyncadd.s32 @!p0 s1  }
0x19a: {  	[bflag:$0x3] =	sbarrier.arrive $0xFFFF  }
0x19b: {  	_ =	shalt  }

</sc_bundles>
